<compile_context>
chip_gen: v7x
topology: tpu7x:2x2x1
jax: 0.10.2.dev20260603
libtpu: 0.0.44.dev20260713+nightly
codegen_flags: <defaults>
</compile_context>

<pallas_src>
import functools

import jax
import jax.numpy as jnp
from jax import lax
from jax.experimental import pallas as pl
from jax.experimental.pallas import tpu as pltpu
from jax.experimental.pallas import tpu_sc as plsc

N = 10000
E = 320000
D_IN = 128
D_H = 32
D_OUT = 128
G = 128

NC = 2
NS = 16
NW = NC * NS

B = 128
K = -(-E // (NW * B))
EPW = K * B
EPAD = NW * EPW

ZR = 672
N_ACC = NS * ZR

_f32 = jnp.float32
_HI = lax.Precision.HIGHEST

_mesh = plsc.VectorSubcoreMesh(core_axis_name="c", subcore_axis_name="s")


@functools.partial(
    pl.kernel,
    out_type=jax.ShapeDtypeStruct((NC, N_ACC, D_IN), _f32),
    mesh=_mesh,
    compiler_params=pltpu.CompilerParams(use_tc_tiling_on_sc=False),
    scratch_types=[
        pltpu.VMEM((K, B), jnp.int32),
        pltpu.VMEM((K, B), jnp.int32),
        pltpu.VMEM((B, D_IN), _f32),
        pltpu.VMEM_SHARED((N_ACC, D_IN), _f32),
    ],
)
def _sc_agg(q_hbm, src_hbm, dst_hbm, zer_hbm, out_hbm, src_v, dst_v, rows_v,
            acc_sh):
    c = lax.axis_index("c")
    s = lax.axis_index("s")
    wid = s * NC + c

    pltpu.sync_copy(zer_hbm, acc_sh.at[pl.ds(s * ZR, ZR)])
    pltpu.sync_copy(src_hbm.at[wid], src_v)
    pltpu.sync_copy(dst_hbm.at[wid], dst_v)
    plsc.subcore_barrier()

    def body(j, carry):
        pltpu.sync_copy(q_hbm.at[src_v.at[j]], rows_v)
        pltpu.sync_copy(rows_v, acc_sh.at[dst_v.at[j]], add=True)
        return carry

    lax.fori_loop(0, K, body, 0)
    plsc.subcore_barrier()

    pltpu.sync_copy(acc_sh.at[pl.ds(s * ZR, ZR)],
                    out_hbm.at[c, pl.ds(s * ZR, ZR)])
    plsc.subcore_barrier()
    pltpu.sync_copy(acc_sh.at[pl.ds(s * ZR, ZR)],
                    out_hbm.at[c, pl.ds(s * ZR, ZR)])


def _bn_mlp(z, w1, b1, w2, b2, gamma, beta):
    u = jnp.dot(z, w1, preferred_element_type=_f32) + b1
    t = jnp.maximum(u, 0.0)
    v = jnp.dot(t, w2, preferred_element_type=_f32) + b2
    h = jnp.maximum(v, 0.0)
    mean = jnp.mean(h, axis=0, keepdims=True)
    d = h - mean
    var = jnp.mean(d * d, axis=0, keepdims=True)
    return d / jnp.sqrt(var + 1e-5) * gamma + beta


def _mid1_body(h_ref, acc_ref, w1_ref, b1_ref, w2_ref, b2_ref, g_ref, be_ref,
               o_ref):
    z = h_ref[...] + acc_ref[0, :N] + acc_ref[1, :N]
    hn = _bn_mlp(z, w1_ref[...], b1_ref[...], w2_ref[...], b2_ref[...],
                 g_ref[...], be_ref[...])
    o_ref[...] = jnp.concatenate([hn, jnp.zeros((N, D_IN - D_H), _f32)],
                                 axis=1)


def _mid2_body(h_ref, acc_ref, w1_ref, b1_ref, w2_ref, b2_ref, g_ref, be_ref,
               o_ref):
    z = (h_ref[:, :D_H] + acc_ref[0, :N, :D_H] + acc_ref[1, :N, :D_H])
    hn = _bn_mlp(z, w1_ref[...], b1_ref[...], w2_ref[...], b2_ref[...],
                 g_ref[...], be_ref[...])
    o_ref[...] = jnp.concatenate([hn, jnp.zeros((N, D_IN - D_H), _f32)],
                                 axis=1)


_mid1 = pl.pallas_call(
    _mid1_body, out_shape=jax.ShapeDtypeStruct((N, D_IN), _f32))
_mid2 = pl.pallas_call(
    _mid2_body, out_shape=jax.ShapeDtypeStruct((N, D_IN), _f32))


def _final_body(h_ref, acc_ref, w1_ref, b1_ref, w2_ref, b2_ref, g_ref,
                be_ref, bt_ref, fw_ref, fb_ref, o_ref):
    z = (h_ref[:, :D_H] + acc_ref[0, :N, :D_H] + acc_ref[1, :N, :D_H])
    hn = _bn_mlp(z, w1_ref[...], b1_ref[...], w2_ref[...], b2_ref[...],
                 g_ref[...], be_ref[...])
    bm = jnp.broadcast_to(bt_ref[...], (G, N))
    gi = lax.broadcasted_iota(jnp.int32, (G, N), 0).astype(_f32)
    onehot = jnp.where(bm == gi, 1.0, 0.0)
    pooled = jnp.dot(onehot, hn, precision=_HI, preferred_element_type=_f32)
    o_ref[...] = jnp.maximum(
        jnp.dot(pooled, fw_ref[...], preferred_element_type=_f32)
        + fb_ref[...], 0.0)


_final = pl.pallas_call(
    _final_body, out_shape=jax.ShapeDtypeStruct((G, D_OUT), _f32))


def kernel(x, params, edge_index, batch):
    src = edge_index[0]
    dst = edge_index[1]
    pad = EPAD - E
    pi = jnp.arange(pad, dtype=jnp.int32)
    src_p = jnp.concatenate([src, pi % N]).reshape(NW, K, B)
    dst_p = jnp.concatenate([dst, N + pi % (N_ACC - N)]).reshape(NW, K, B)
    zer = jnp.zeros((ZR, D_IN), _f32)
    bt = batch.astype(_f32).reshape(1, N)

    h = x
    for i in range(1, 6):
        cp = params['conv%d' % i]
        bp = params['bn%d' % i]
        acc = _sc_agg(h, src_p, dst_p, zer)
        args = (cp['w1'], cp['b1'].reshape(1, D_H),
                cp['w2'], cp['b2'].reshape(1, D_H),
                bp['gamma'].reshape(1, D_H), bp['beta'].reshape(1, D_H))
        if i == 1:
            h = _mid1(h, acc, *args)
        elif i < 5:
            h = _mid2(h, acc, *args)
        else:
            return _final(h, acc, *args, bt, params['fc1']['w'],
                          params['fc1']['b'].reshape(1, D_OUT))

# --- scband reference (transcript-rebuilt; emitter-appended) ---
"""Pipeline reference for scband-gin-25383256719665 (READ-ONLY COPY).

The authoritative reference and input builder live on the scoring server;
editing this copy changes nothing except your own understanding.
"""

import jax, jax.numpy as jnp
import numpy as np

N = 10000
E = 320000
D_IN = 128
D_H = 32
D_OUT = 128
G = 128


def _init_params(key):
    params = {}
    k = key
    dims = [(D_IN, D_H)] + [(D_H, D_H)] * 4
    for i, (di, dh) in enumerate(dims):
        k, k1, k2 = jax.random.split(k, 3)
        params['conv%d' % (i + 1)] = {
            'w1': jax.random.normal(k1, (di, dh), dtype=jnp.float32) * 0.05,
            'b1': jnp.zeros((dh,), dtype=jnp.float32),
            'w2': jax.random.normal(k2, (dh, dh), dtype=jnp.float32) * 0.05,
            'b2': jnp.zeros((dh,), dtype=jnp.float32),
        }
        params['bn%d' % (i + 1)] = {
            'gamma': jnp.ones((dh,), dtype=jnp.float32),
            'beta': jnp.zeros((dh,), dtype=jnp.float32),
        }
    k, k1 = jax.random.split(k)
    params['fc1'] = {
        'w': jax.random.normal(k1, (D_H, D_OUT), dtype=jnp.float32) * 0.05,
        'b': jnp.zeros((D_OUT,), dtype=jnp.float32),
    }
    return params


def setup_inputs(seed: int = 0) -> dict:
    key = jax.random.key(seed)
    k0, k1, k2, k3 = jax.random.split(key, 4)
    x = jax.random.normal(k0, (N, D_IN), dtype=jnp.float32)
    edge_index = jax.random.randint(k1, (2, E), 0, N, dtype=jnp.int32)
    batch = jnp.sort(jax.random.randint(k2, (N,), 0, G, dtype=jnp.int32))
    params = _init_params(k3)
    return {'x': x, 'params': params, 'edge_index': edge_index, 'batch': batch}


def _gin_forward(x, params, edge_index, batch):
    src = edge_index[0]
    dst = edge_index[1]
    h = x
    for i in range(5):
        cp = params['conv%d' % (i + 1)]
        # GINConv: (1 + eps) * x + sum-aggregation over incoming edges (eps = 0)
        agg = jax.ops.segment_sum(h[src], dst, num_segments=N)
        z = h + agg
        z = jnp.maximum(z @ cp['w1'] + cp['b1'], 0.0) @ cp['w2'] + cp['b2']
        h = jnp.maximum(z, 0.0)  # F.relu after conv
        bp = params['bn%d' % (i + 1)]
        mean = jnp.mean(h, axis=0)
        var = jnp.var(h, axis=0)
        h = (h - mean) / jnp.sqrt(var + 1e-5) * bp['gamma'] + bp['beta']
    pooled = jax.ops.segment_sum(h, batch, num_segments=G)  # global_add_pool
    out = jnp.maximum(pooled @ params['fc1']['w'] + params['fc1']['b'], 0.0)
    # dropout is identity in eval mode
    return out


def reference(x, params, edge_index, batch):
    return _gin_forward(x, params, edge_index, batch)

if __name__ == "__main__":
    import jax
    _d = setup_inputs()
    print(jax.jit(kernel)(*tuple(_d.values())))

</pallas_src>

<mosaic_0001>
#map = affine_map<(d0, d1) -> (0, 0)>
#map1 = affine_map<(d0, d1) -> (0, 0, 0)>
module attributes {stable_mosaic.version = 14 : i64} {
  func.func @_sc_agg(%arg0: i32, %arg1: i32, %arg2: memref<10000x128xf32, #tpu.memory_space<hbm>>, %arg3: memref<32x79x128xi32, #tpu.memory_space<hbm>>, %arg4: memref<32x79x128xi32, #tpu.memory_space<hbm>>, %arg5: memref<672x128xf32, #tpu.memory_space<hbm>>, %arg6: memref<2x10752x128xf32, #tpu.memory_space<hbm>>, %arg7: memref<79x128xi32, #tpu.memory_space<vmem>>, %arg8: memref<79x128xi32, #tpu.memory_space<vmem>>, %arg9: memref<128x128xf32, #tpu.memory_space<vmem>>, %arg10: memref<10752x128xf32, #tpu.memory_space<vmem_shared>>) attributes {dimension_semantics = [#tpu.dimension_semantics<core_parallel>, #tpu.dimension_semantics<subcore_parallel>], iteration_bounds = array<i64: 2, 16>, scalar_prefetch = 0 : i64, scratch_operands = 4 : i64, tpu.core_type = #tpu.core_type<sc_vector_subcore>, window_params = [{transform_indices = #map}, {transform_indices = #map1}, {transform_indices = #map1}, {transform_indices = #map}, {transform_indices = #map1}]} {
    %mul3A = arith.constant 2 : i32
    %mul3A_0 = arith.muli %arg1, %mul3A : i32
    %add3A = arith.addi %mul3A_0, %arg0 : i32
    %mul3A_1 = arith.constant 672 : i32
    %mul3A_2 = arith.muli %arg1, %mul3A_1 : i32
    "tpu.region"() ({
      %run_scoped3A = tpu.sem_alloc : memref<!tpu.dma_semaphore, #tpu.memory_space<semaphore_mem>>
      %dma_start3A = arith.constant 0 : i32
      %dma_start3A_18 = tpu.memref_slice %arg10[%mul3A_2, %dma_start3A] : memref<10752x128xf32, #tpu.memory_space<vmem_shared>> -> memref<672x128xf32, #tpu.memory_space<vmem_shared>>
      tpu.enqueue_dma source(%arg5 : memref<672x128xf32, #tpu.memory_space<hbm>>) target(%dma_start3A_18 : memref<672x128xf32, #tpu.memory_space<vmem_shared>>) target_semaphore(%run_scoped3A : memref<!tpu.dma_semaphore, #tpu.memory_space<semaphore_mem>>)
      %dma_wait3A = arith.constant 0 : i32
      %dma_wait3A_19 = tpu.memref_slice %arg10[%mul3A_2, %dma_wait3A] : memref<10752x128xf32, #tpu.memory_space<vmem_shared>> -> memref<672x128xf32, #tpu.memory_space<vmem_shared>>
      tpu.wait_dma2 semaphore(%run_scoped3A : memref<!tpu.dma_semaphore, #tpu.memory_space<semaphore_mem>>) src(%arg5 : memref<672x128xf32, #tpu.memory_space<hbm>>) dst(%dma_wait3A_19 : memref<672x128xf32, #tpu.memory_space<vmem_shared>>)
      tpu.yield
    }) : () -> ()
    "tpu.region"() ({
      %run_scoped3A = tpu.sem_alloc : memref<!tpu.dma_semaphore, #tpu.memory_space<semaphore_mem>>
      %dma_start3A = arith.constant 0 : i32
      %dma_start3A_18 = arith.constant 0 : i32
      %dma_start3A_19 = tpu.memref_slice %arg3[%add3A, %dma_start3A, %dma_start3A_18] : memref<32x79x128xi32, #tpu.memory_space<hbm>> -> memref<1x79x128xi32, #tpu.memory_space<hbm>>
      %dma_start3A_20 = tpu.memref_squeeze %dma_start3A_19 : memref<1x79x128xi32, #tpu.memory_space<hbm>> -> memref<79x128xi32, #tpu.memory_space<hbm>>
      %dma_start3A_21 = arith.constant 0 : i32
      %dma_start3A_22 = arith.constant 0 : i32
      %dma_start3A_23 = tpu.memref_slice %arg3[%add3A, %dma_start3A_21, %dma_start3A_22] : memref<32x79x128xi32, #tpu.memory_space<hbm>> -> memref<1x79x128xi32, #tpu.memory_space<hbm>>
      %dma_start3A_24 = tpu.memref_squeeze %dma_start3A_23 : memref<1x79x128xi32, #tpu.memory_space<hbm>> -> memref<79x128xi32, #tpu.memory_space<hbm>>
      tpu.enqueue_dma source(%dma_start3A_24 : memref<79x128xi32, #tpu.memory_space<hbm>>) target(%arg7 : memref<79x128xi32, #tpu.memory_space<vmem>>) target_semaphore(%run_scoped3A : memref<!tpu.dma_semaphore, #tpu.memory_space<semaphore_mem>>)
      %dma_wait3A = arith.constant 0 : i32
      %dma_wait3A_25 = arith.constant 0 : i32
      %dma_wait3A_26 = tpu.memref_slice %arg3[%add3A, %dma_wait3A, %dma_wait3A_25] : memref<32x79x128xi32, #tpu.memory_space<hbm>> -> memref<1x79x128xi32, #tpu.memory_space<hbm>>
      %dma_wait3A_27 = tpu.memref_squeeze %dma_wait3A_26 : memref<1x79x128xi32, #tpu.memory_space<hbm>> -> memref<79x128xi32, #tpu.memory_space<hbm>>
      %dma_wait3A_28 = arith.constant 0 : i32
      %dma_wait3A_29 = arith.constant 0 : i32
      %dma_wait3A_30 = tpu.memref_slice %arg3[%add3A, %dma_wait3A_28, %dma_wait3A_29] : memref<32x79x128xi32, #tpu.memory_space<hbm>> -> memref<1x79x128xi32, #tpu.memory_space<hbm>>
      %dma_wait3A_31 = tpu.memref_squeeze %dma_wait3A_30 : memref<1x79x128xi32, #tpu.memory_space<hbm>> -> memref<79x128xi32, #tpu.memory_space<hbm>>
      tpu.wait_dma2 semaphore(%run_scoped3A : memref<!tpu.dma_semaphore, #tpu.memory_space<semaphore_mem>>) src(%dma_wait3A_31 : memref<79x128xi32, #tpu.memory_space<hbm>>) dst(%arg7 : memref<79x128xi32, #tpu.memory_space<vmem>>)
      tpu.yield
    }) : () -> ()
    "tpu.region"() ({
      %run_scoped3A = tpu.sem_alloc : memref<!tpu.dma_semaphore, #tpu.memory_space<semaphore_mem>>
      %dma_start3A = arith.constant 0 : i32
      %dma_start3A_18 = arith.constant 0 : i32
      %dma_start3A_19 = tpu.memref_slice %arg4[%add3A, %dma_start3A, %dma_start3A_18] : memref<32x79x128xi32, #tpu.memory_space<hbm>> -> memref<1x79x128xi32, #tpu.memory_space<hbm>>
      %dma_start3A_20 = tpu.memref_squeeze %dma_start3A_19 : memref<1x79x128xi32, #tpu.memory_space<hbm>> -> memref<79x128xi32, #tpu.memory_space<hbm>>
      %dma_start3A_21 = arith.constant 0 : i32
      %dma_start3A_22 = arith.constant 0 : i32
      %dma_start3A_23 = tpu.memref_slice %arg4[%add3A, %dma_start3A_21, %dma_start3A_22] : memref<32x79x128xi32, #tpu.memory_space<hbm>> -> memref<1x79x128xi32, #tpu.memory_space<hbm>>
      %dma_start3A_24 = tpu.memref_squeeze %dma_start3A_23 : memref<1x79x128xi32, #tpu.memory_space<hbm>> -> memref<79x128xi32, #tpu.memory_space<hbm>>
      tpu.enqueue_dma source(%dma_start3A_24 : memref<79x128xi32, #tpu.memory_space<hbm>>) target(%arg8 : memref<79x128xi32, #tpu.memory_space<vmem>>) target_semaphore(%run_scoped3A : memref<!tpu.dma_semaphore, #tpu.memory_space<semaphore_mem>>)
      %dma_wait3A = arith.constant 0 : i32
      %dma_wait3A_25 = arith.constant 0 : i32
      %dma_wait3A_26 = tpu.memref_slice %arg4[%add3A, %dma_wait3A, %dma_wait3A_25] : memref<32x79x128xi32, #tpu.memory_space<hbm>> -> memref<1x79x128xi32, #tpu.memory_space<hbm>>
      %dma_wait3A_27 = tpu.memref_squeeze %dma_wait3A_26 : memref<1x79x128xi32, #tpu.memory_space<hbm>> -> memref<79x128xi32, #tpu.memory_space<hbm>>
      %dma_wait3A_28 = arith.constant 0 : i32
      %dma_wait3A_29 = arith.constant 0 : i32
      %dma_wait3A_30 = tpu.memref_slice %arg4[%add3A, %dma_wait3A_28, %dma_wait3A_29] : memref<32x79x128xi32, #tpu.memory_space<hbm>> -> memref<1x79x128xi32, #tpu.memory_space<hbm>>
      %dma_wait3A_31 = tpu.memref_squeeze %dma_wait3A_30 : memref<1x79x128xi32, #tpu.memory_space<hbm>> -> memref<79x128xi32, #tpu.memory_space<hbm>>
      tpu.wait_dma2 semaphore(%run_scoped3A : memref<!tpu.dma_semaphore, #tpu.memory_space<semaphore_mem>>) src(%dma_wait3A_31 : memref<79x128xi32, #tpu.memory_space<hbm>>) dst(%arg8 : memref<79x128xi32, #tpu.memory_space<vmem>>)
      tpu.yield
    }) : () -> ()
    %barrier3A = arith.constant 0 : index
    tpu.barrier barrier_id(%barrier3A)
    %scan3A = arith.constant 0 : i32
    %scan3A_3 = arith.constant 0 : i32
    %scan3A_4 = arith.constant 79 : i32
    %scan3A_5 = arith.addi %scan3A_3, %scan3A_4 : i32
    %scan3A_6 = arith.constant 1 : i32
    scf.for %scan3A_18 = %scan3A_3 to %scan3A_5 step %scan3A_6  : i32 {
      "tpu.region"() ({
        %run_scoped3A = tpu.sem_alloc : memref<!tpu.dma_semaphore, #tpu.memory_space<semaphore_mem>>
        %dma_start3A = arith.constant 0 : i32
        %dma_start3A_19 = tpu.memref_slice %arg7[%scan3A_18, %dma_start3A] : memref<79x128xi32, #tpu.memory_space<vmem>> -> memref<1x128xi32, #tpu.memory_space<vmem>>
        %dma_start3A_20 = tpu.memref_squeeze %dma_start3A_19 : memref<1x128xi32, #tpu.memory_space<vmem>> -> memref<128xi32, #tpu.memory_space<vmem>>
        %dma_start3A_21 = arith.constant 0 : i32
        %dma_start3A_22 = arith.constant 0 : i32
        %dma_start3A_23 = tpu.memref_slice %arg2[%dma_start3A_21, %dma_start3A_22] : memref<10000x128xf32, #tpu.memory_space<hbm>> -> memref<10000x128xf32, #tpu.memory_space<hbm>>
        tpu.enqueue_indirect_dma source(%dma_start3A_23 : memref<10000x128xf32, #tpu.memory_space<hbm>>) target(%arg9 : memref<128x128xf32, #tpu.memory_space<vmem>>) offsets(%dma_start3A_20 : memref<128xi32, #tpu.memory_space<vmem>>) semaphore(%run_scoped3A : memref<!tpu.dma_semaphore, #tpu.memory_space<semaphore_mem>>)
        %dma_wait3A = arith.constant 0 : i32
        %dma_wait3A_24 = tpu.memref_slice %arg7[%scan3A_18, %dma_wait3A] : memref<79x128xi32, #tpu.memory_space<vmem>> -> memref<1x128xi32, #tpu.memory_space<vmem>>
        %dma_wait3A_25 = tpu.memref_squeeze %dma_wait3A_24 : memref<1x128xi32, #tpu.memory_space<vmem>> -> memref<128xi32, #tpu.memory_space<vmem>>
        %dma_wait3A_26 = arith.constant 0 : i32
        %dma_wait3A_27 = arith.constant 0 : i32
        %dma_wait3A_28 = tpu.memref_slice %arg2[%dma_wait3A_26, %dma_wait3A_27] : memref<10000x128xf32, #tpu.memory_space<hbm>> -> memref<10000x128xf32, #tpu.memory_space<hbm>>
        tpu.wait_indirect_dma semaphore(%run_scoped3A : memref<!tpu.dma_semaphore, #tpu.memory_space<semaphore_mem>>) src(%dma_wait3A_28 : memref<10000x128xf32, #tpu.memory_space<hbm>>) dst(%arg9 : memref<128x128xf32, #tpu.memory_space<vmem>>)
        tpu.yield
      }) : () -> ()
      "tpu.region"() ({
        %run_scoped3A = tpu.sem_alloc : memref<!tpu.dma_semaphore, #tpu.memory_space<semaphore_mem>>
        %dma_start3A = arith.constant 0 : i32
        %dma_start3A_19 = tpu.memref_slice %arg8[%scan3A_18, %dma_start3A] : memref<79x128xi32, #tpu.memory_space<vmem>> -> memref<1x128xi32, #tpu.memory_space<vmem>>
        %dma_start3A_20 = tpu.memref_squeeze %dma_start3A_19 : memref<1x128xi32, #tpu.memory_space<vmem>> -> memref<128xi32, #tpu.memory_space<vmem>>
        %dma_start3A_21 = arith.constant 0 : i32
        %dma_start3A_22 = arith.constant 0 : i32
        %dma_start3A_23 = tpu.memref_slice %arg10[%dma_start3A_21, %dma_start3A_22] : memref<10752x128xf32, #tpu.memory_space<vmem_shared>> -> memref<10752x128xf32, #tpu.memory_space<vmem_shared>>
        tpu.enqueue_indirect_dma source(%arg9 : memref<128x128xf32, #tpu.memory_space<vmem>>) target(%dma_start3A_23 : memref<10752x128xf32, #tpu.memory_space<vmem_shared>>) offsets(%dma_start3A_20 : memref<128xi32, #tpu.memory_space<vmem>>) semaphore(%run_scoped3A : memref<!tpu.dma_semaphore, #tpu.memory_space<semaphore_mem>>) {add = true}
        %dma_wait3A = arith.constant 0 : i32
        %dma_wait3A_24 = tpu.memref_slice %arg8[%scan3A_18, %dma_wait3A] : memref<79x128xi32, #tpu.memory_space<vmem>> -> memref<1x128xi32, #tpu.memory_space<vmem>>
        %dma_wait3A_25 = tpu.memref_squeeze %dma_wait3A_24 : memref<1x128xi32, #tpu.memory_space<vmem>> -> memref<128xi32, #tpu.memory_space<vmem>>
        %dma_wait3A_26 = arith.constant 0 : i32
        %dma_wait3A_27 = arith.constant 0 : i32
        %dma_wait3A_28 = tpu.memref_slice %arg10[%dma_wait3A_26, %dma_wait3A_27] : memref<10752x128xf32, #tpu.memory_space<vmem_shared>> -> memref<10752x128xf32, #tpu.memory_space<vmem_shared>>
        tpu.wait_indirect_dma semaphore(%run_scoped3A : memref<!tpu.dma_semaphore, #tpu.memory_space<semaphore_mem>>) src(%arg9 : memref<128x128xf32, #tpu.memory_space<vmem>>) dst(%dma_wait3A_28 : memref<10752x128xf32, #tpu.memory_space<vmem_shared>>)
        tpu.yield
      }) : () -> ()
    }
    %scan3A_7 = arith.constant 79 : i32
    %barrier3A_8 = arith.constant 0 : index
    tpu.barrier barrier_id(%barrier3A_8)
    %mul3A_9 = arith.constant 672 : i32
    %mul3A_10 = arith.muli %arg1, %mul3A_9 : i32
    %mul3A_11 = arith.constant 672 : i32
    %mul3A_12 = arith.muli %arg1, %mul3A_11 : i32
    "tpu.region"() ({
      %run_scoped3A = tpu.sem_alloc : memref<!tpu.dma_semaphore, #tpu.memory_space<semaphore_mem>>
      %dma_start3A = arith.constant 0 : i32
      %dma_start3A_18 = tpu.memref_slice %arg6[%arg0, %mul3A_12, %dma_start3A] : memref<2x10752x128xf32, #tpu.memory_space<hbm>> -> memref<1x672x128xf32, #tpu.memory_space<hbm>>
      %dma_start3A_19 = tpu.memref_squeeze %dma_start3A_18 : memref<1x672x128xf32, #tpu.memory_space<hbm>> -> memref<672x128xf32, #tpu.memory_space<hbm>>
      %dma_start3A_20 = arith.constant 0 : i32
      %dma_start3A_21 = tpu.memref_slice %arg10[%mul3A_10, %dma_start3A_20] : memref<10752x128xf32, #tpu.memory_space<vmem_shared>> -> memref<672x128xf32, #tpu.memory_space<vmem_shared>>
      tpu.enqueue_dma source(%dma_start3A_21 : memref<672x128xf32, #tpu.memory_space<vmem_shared>>) target(%dma_start3A_19 : memref<672x128xf32, #tpu.memory_space<hbm>>) target_semaphore(%run_scoped3A : memref<!tpu.dma_semaphore, #tpu.memory_space<semaphore_mem>>)
      %dma_wait3A = arith.constant 0 : i32
      %dma_wait3A_22 = tpu.memref_slice %arg6[%arg0, %mul3A_12, %dma_wait3A] : memref<2x10752x128xf32, #tpu.memory_space<hbm>> -> memref<1x672x128xf32, #tpu.memory_space<hbm>>
      %dma_wait3A_23 = tpu.memref_squeeze %dma_wait3A_22 : memref<1x672x128xf32, #tpu.memory_space<hbm>> -> memref<672x128xf32, #tpu.memory_space<hbm>>
      %dma_wait3A_24 = arith.constant 0 : i32
      %dma_wait3A_25 = tpu.memref_slice %arg10[%mul3A_10, %dma_wait3A_24] : memref<10752x128xf32, #tpu.memory_space<vmem_shared>> -> memref<672x128xf32, #tpu.memory_space<vmem_shared>>
      tpu.wait_dma2 semaphore(%run_scoped3A : memref<!tpu.dma_semaphore, #tpu.memory_space<semaphore_mem>>) src(%dma_wait3A_25 : memref<672x128xf32, #tpu.memory_space<vmem_shared>>) dst(%dma_wait3A_23 : memref<672x128xf32, #tpu.memory_space<hbm>>)
      tpu.yield
    }) : () -> ()
    %barrier3A_13 = arith.constant 0 : index
    tpu.barrier barrier_id(%barrier3A_13)
    %mul3A_14 = arith.constant 672 : i32
    %mul3A_15 = arith.muli %arg1, %mul3A_14 : i32
    %mul3A_16 = arith.constant 672 : i32
    %mul3A_17 = arith.muli %arg1, %mul3A_16 : i32
    "tpu.region"() ({
      %run_scoped3A = tpu.sem_alloc : memref<!tpu.dma_semaphore, #tpu.memory_space<semaphore_mem>>
      %dma_start3A = arith.constant 0 : i32
      %dma_start3A_18 = tpu.memref_slice %arg6[%arg0, %mul3A_17, %dma_start3A] : memref<2x10752x128xf32, #tpu.memory_space<hbm>> -> memref<1x672x128xf32, #tpu.memory_space<hbm>>
      %dma_start3A_19 = tpu.memref_squeeze %dma_start3A_18 : memref<1x672x128xf32, #tpu.memory_space<hbm>> -> memref<672x128xf32, #tpu.memory_space<hbm>>
      %dma_start3A_20 = arith.constant 0 : i32
      %dma_start3A_21 = tpu.memref_slice %arg10[%mul3A_15, %dma_start3A_20] : memref<10752x128xf32, #tpu.memory_space<vmem_shared>> -> memref<672x128xf32, #tpu.memory_space<vmem_shared>>
      tpu.enqueue_dma source(%dma_start3A_21 : memref<672x128xf32, #tpu.memory_space<vmem_shared>>) target(%dma_start3A_19 : memref<672x128xf32, #tpu.memory_space<hbm>>) target_semaphore(%run_scoped3A : memref<!tpu.dma_semaphore, #tpu.memory_space<semaphore_mem>>)
      %dma_wait3A = arith.constant 0 : i32
      %dma_wait3A_22 = tpu.memref_slice %arg6[%arg0, %mul3A_17, %dma_wait3A] : memref<2x10752x128xf32, #tpu.memory_space<hbm>> -> memref<1x672x128xf32, #tpu.memory_space<hbm>>
      %dma_wait3A_23 = tpu.memref_squeeze %dma_wait3A_22 : memref<1x672x128xf32, #tpu.memory_space<hbm>> -> memref<672x128xf32, #tpu.memory_space<hbm>>
      %dma_wait3A_24 = arith.constant 0 : i32
      %dma_wait3A_25 = tpu.memref_slice %arg10[%mul3A_15, %dma_wait3A_24] : memref<10752x128xf32, #tpu.memory_space<vmem_shared>> -> memref<672x128xf32, #tpu.memory_space<vmem_shared>>
      tpu.wait_dma2 semaphore(%run_scoped3A : memref<!tpu.dma_semaphore, #tpu.memory_space<semaphore_mem>>) src(%dma_wait3A_25 : memref<672x128xf32, #tpu.memory_space<vmem_shared>>) dst(%dma_wait3A_23 : memref<672x128xf32, #tpu.memory_space<hbm>>)
      tpu.yield
    }) : () -> ()
    return
  }
}

#map = affine_map<(d0, d1) -> (0, 0)>
#map1 = affine_map<(d0, d1) -> (0, 0, 0)>
module attributes {stable_mosaic.version = 14 : i64} {
  func.func @_sc_agg(%arg0: i32, %arg1: i32, %arg2: memref<10000x128xf32, #tpu.memory_space<hbm>>, %arg3: memref<32x79x128xi32, #tpu.memory_space<hbm>>, %arg4: memref<32x79x128xi32, #tpu.memory_space<hbm>>, %arg5: memref<672x128xf32, #tpu.memory_space<hbm>>, %arg6: memref<2x10752x128xf32, #tpu.memory_space<hbm>>, %arg7: memref<79x128xi32, #tpu.memory_space<vmem>>, %arg8: memref<79x128xi32, #tpu.memory_space<vmem>>, %arg9: memref<128x128xf32, #tpu.memory_space<vmem>>, %arg10: memref<10752x128xf32, #tpu.memory_space<vmem_shared>>) attributes {dimension_semantics = [#tpu.dimension_semantics<core_parallel>, #tpu.dimension_semantics<subcore_parallel>], iteration_bounds = array<i64: 2, 16>, scalar_prefetch = 0 : i64, scratch_operands = 4 : i64, tpu.core_type = #tpu.core_type<sc_vector_subcore>, window_params = [{transform_indices = #map}, {transform_indices = #map1}, {transform_indices = #map1}, {transform_indices = #map}, {transform_indices = #map1}]} {
    %mul3A = arith.constant 2 : i32
    %mul3A_0 = arith.muli %arg1, %mul3A : i32
    %add3A = arith.addi %mul3A_0, %arg0 : i32
    %mul3A_1 = arith.constant 672 : i32
    %mul3A_2 = arith.muli %arg1, %mul3A_1 : i32
    "tpu.region"() ({
      %run_scoped3A = tpu.sem_alloc : memref<!tpu.dma_semaphore, #tpu.memory_space<semaphore_mem>>
      %dma_start3A = arith.constant 0 : i32
      %dma_start3A_18 = tpu.memref_slice %arg10[%mul3A_2, %dma_start3A] : memref<10752x128xf32, #tpu.memory_space<vmem_shared>> -> memref<672x128xf32, #tpu.memory_space<vmem_shared>>
      tpu.enqueue_dma source(%arg5 : memref<672x128xf32, #tpu.memory_space<hbm>>) target(%dma_start3A_18 : memref<672x128xf32, #tpu.memory_space<vmem_shared>>) target_semaphore(%run_scoped3A : memref<!tpu.dma_semaphore, #tpu.memory_space<semaphore_mem>>)
      %dma_wait3A = arith.constant 0 : i32
      %dma_wait3A_19 = tpu.memref_slice %arg10[%mul3A_2, %dma_wait3A] : memref<10752x128xf32, #tpu.memory_space<vmem_shared>> -> memref<672x128xf32, #tpu.memory_space<vmem_shared>>
      tpu.wait_dma2 semaphore(%run_scoped3A : memref<!tpu.dma_semaphore, #tpu.memory_space<semaphore_mem>>) src(%arg5 : memref<672x128xf32, #tpu.memory_space<hbm>>) dst(%dma_wait3A_19 : memref<672x128xf32, #tpu.memory_space<vmem_shared>>)
      tpu.yield
    }) : () -> ()
    "tpu.region"() ({
      %run_scoped3A = tpu.sem_alloc : memref<!tpu.dma_semaphore, #tpu.memory_space<semaphore_mem>>
      %dma_start3A = arith.constant 0 : i32
      %dma_start3A_18 = arith.constant 0 : i32
      %dma_start3A_19 = tpu.memref_slice %arg3[%add3A, %dma_start3A, %dma_start3A_18] : memref<32x79x128xi32, #tpu.memory_space<hbm>> -> memref<1x79x128xi32, #tpu.memory_space<hbm>>
      %dma_start3A_20 = tpu.memref_squeeze %dma_start3A_19 : memref<1x79x128xi32, #tpu.memory_space<hbm>> -> memref<79x128xi32, #tpu.memory_space<hbm>>
      %dma_start3A_21 = arith.constant 0 : i32
      %dma_start3A_22 = arith.constant 0 : i32
      %dma_start3A_23 = tpu.memref_slice %arg3[%add3A, %dma_start3A_21, %dma_start3A_22] : memref<32x79x128xi32, #tpu.memory_space<hbm>> -> memref<1x79x128xi32, #tpu.memory_space<hbm>>
      %dma_start3A_24 = tpu.memref_squeeze %dma_start3A_23 : memref<1x79x128xi32, #tpu.memory_space<hbm>> -> memref<79x128xi32, #tpu.memory_space<hbm>>
      tpu.enqueue_dma source(%dma_start3A_24 : memref<79x128xi32, #tpu.memory_space<hbm>>) target(%arg7 : memref<79x128xi32, #tpu.memory_space<vmem>>) target_semaphore(%run_scoped3A : memref<!tpu.dma_semaphore, #tpu.memory_space<semaphore_mem>>)
      %dma_wait3A = arith.constant 0 : i32
      %dma_wait3A_25 = arith.constant 0 : i32
      %dma_wait3A_26 = tpu.memref_slice %arg3[%add3A, %dma_wait3A, %dma_wait3A_25] : memref<32x79x128xi32, #tpu.memory_space<hbm>> -> memref<1x79x128xi32, #tpu.memory_space<hbm>>
      %dma_wait3A_27 = tpu.memref_squeeze %dma_wait3A_26 : memref<1x79x128xi32, #tpu.memory_space<hbm>> -> memref<79x128xi32, #tpu.memory_space<hbm>>
      %dma_wait3A_28 = arith.constant 0 : i32
      %dma_wait3A_29 = arith.constant 0 : i32
      %dma_wait3A_30 = tpu.memref_slice %arg3[%add3A, %dma_wait3A_28, %dma_wait3A_29] : memref<32x79x128xi32, #tpu.memory_space<hbm>> -> memref<1x79x128xi32, #tpu.memory_space<hbm>>
      %dma_wait3A_31 = tpu.memref_squeeze %dma_wait3A_30 : memref<1x79x128xi32, #tpu.memory_space<hbm>> -> memref<79x128xi32, #tpu.memory_space<hbm>>
      tpu.wait_dma2 semaphore(%run_scoped3A : memref<!tpu.dma_semaphore, #tpu.memory_space<semaphore_mem>>) src(%dma_wait3A_31 : memref<79x128xi32, #tpu.memory_space<hbm>>) dst(%arg7 : memref<79x128xi32, #tpu.memory_space<vmem>>)
      tpu.yield
    }) : () -> ()
    "tpu.region"() ({
      %run_scoped3A = tpu.sem_alloc : memref<!tpu.dma_semaphore, #tpu.memory_space<semaphore_mem>>
      %dma_start3A = arith.constant 0 : i32
      %dma_start3A_18 = arith.constant 0 : i32
      %dma_start3A_19 = tpu.memref_slice %arg4[%add3A, %dma_start3A, %dma_start3A_18] : memref<32x79x128xi32, #tpu.memory_space<hbm>> -> memref<1x79x128xi32, #tpu.memory_space<hbm>>
      %dma_start3A_20 = tpu.memref_squeeze %dma_start3A_19 : memref<1x79x128xi32, #tpu.memory_space<hbm>> -> memref<79x128xi32, #tpu.memory_space<hbm>>
      %dma_start3A_21 = arith.constant 0 : i32
      %dma_start3A_22 = arith.constant 0 : i32
      %dma_start3A_23 = tpu.memref_slice %arg4[%add3A, %dma_start3A_21, %dma_start3A_22] : memref<32x79x128xi32, #tpu.memory_space<hbm>> -> memref<1x79x128xi32, #tpu.memory_space<hbm>>
      %dma_start3A_24 = tpu.memref_squeeze %dma_start3A_23 : memref<1x79x128xi32, #tpu.memory_space<hbm>> -> memref<79x128xi32, #tpu.memory_space<hbm>>
      tpu.enqueue_dma source(%dma_start3A_24 : memref<79x128xi32, #tpu.memory_space<hbm>>) target(%arg8 : memref<79x128xi32, #tpu.memory_space<vmem>>) target_semaphore(%run_scoped3A : memref<!tpu.dma_semaphore, #tpu.memory_space<semaphore_mem>>)
      %dma_wait3A = arith.constant 0 : i32
      %dma_wait3A_25 = arith.constant 0 : i32
      %dma_wait3A_26 = tpu.memref_slice %arg4[%add3A, %dma_wait3A, %dma_wait3A_25] : memref<32x79x128xi32, #tpu.memory_space<hbm>> -> memref<1x79x128xi32, #tpu.memory_space<hbm>>
      %dma_wait3A_27 = tpu.memref_squeeze %dma_wait3A_26 : memref<1x79x128xi32, #tpu.memory_space<hbm>> -> memref<79x128xi32, #tpu.memory_space<hbm>>
      %dma_wait3A_28 = arith.constant 0 : i32
      %dma_wait3A_29 = arith.constant 0 : i32
      %dma_wait3A_30 = tpu.memref_slice %arg4[%add3A, %dma_wait3A_28, %dma_wait3A_29] : memref<32x79x128xi32, #tpu.memory_space<hbm>> -> memref<1x79x128xi32, #tpu.memory_space<hbm>>
      %dma_wait3A_31 = tpu.memref_squeeze %dma_wait3A_30 : memref<1x79x128xi32, #tpu.memory_space<hbm>> -> memref<79x128xi32, #tpu.memory_space<hbm>>
      tpu.wait_dma2 semaphore(%run_scoped3A : memref<!tpu.dma_semaphore, #tpu.memory_space<semaphore_mem>>) src(%dma_wait3A_31 : memref<79x128xi32, #tpu.memory_space<hbm>>) dst(%arg8 : memref<79x128xi32, #tpu.memory_space<vmem>>)
      tpu.yield
    }) : () -> ()
    %barrier3A = arith.constant 0 : index
    tpu.barrier barrier_id(%barrier3A)
    %scan3A = arith.constant 0 : i32
    %scan3A_3 = arith.constant 0 : i32
    %scan3A_4 = arith.constant 79 : i32
    %scan3A_5 = arith.addi %scan3A_3, %scan3A_4 : i32
    %scan3A_6 = arith.constant 1 : i32
    scf.for %scan3A_18 = %scan3A_3 to %scan3A_5 step %scan3A_6  : i32 {
      "tpu.region"() ({
        %run_scoped3A = tpu.sem_alloc : memref<!tpu.dma_semaphore, #tpu.memory_space<semaphore_mem>>
        %dma_start3A = arith.constant 0 : i32
        %dma_start3A_19 = tpu.memref_slice %arg7[%scan3A_18, %dma_start3A] : memref<79x128xi32, #tpu.memory_space<vmem>> -> memref<1x128xi32, #tpu.memory_space<vmem>>
        %dma_start3A_20 = tpu.memref_squeeze %dma_start3A_19 : memref<1x128xi32, #tpu.memory_space<vmem>> -> memref<128xi32, #tpu.memory_space<vmem>>
        %dma_start3A_21 = arith.constant 0 : i32
        %dma_start3A_22 = arith.constant 0 : i32
        %dma_start3A_23 = tpu.memref_slice %arg2[%dma_start3A_21, %dma_start3A_22] : memref<10000x128xf32, #tpu.memory_space<hbm>> -> memref<10000x128xf32, #tpu.memory_space<hbm>>
        tpu.enqueue_indirect_dma source(%dma_start3A_23 : memref<10000x128xf32, #tpu.memory_space<hbm>>) target(%arg9 : memref<128x128xf32, #tpu.memory_space<vmem>>) offsets(%dma_start3A_20 : memref<128xi32, #tpu.memory_space<vmem>>) semaphore(%run_scoped3A : memref<!tpu.dma_semaphore, #tpu.memory_space<semaphore_mem>>)
        %dma_wait3A = arith.constant 0 : i32
        %dma_wait3A_24 = tpu.memref_slice %arg7[%scan3A_18, %dma_wait3A] : memref<79x128xi32, #tpu.memory_space<vmem>> -> memref<1x128xi32, #tpu.memory_space<vmem>>
        %dma_wait3A_25 = tpu.memref_squeeze %dma_wait3A_24 : memref<1x128xi32, #tpu.memory_space<vmem>> -> memref<128xi32, #tpu.memory_space<vmem>>
        %dma_wait3A_26 = arith.constant 0 : i32
        %dma_wait3A_27 = arith.constant 0 : i32
        %dma_wait3A_28 = tpu.memref_slice %arg2[%dma_wait3A_26, %dma_wait3A_27] : memref<10000x128xf32, #tpu.memory_space<hbm>> -> memref<10000x128xf32, #tpu.memory_space<hbm>>
        tpu.wait_indirect_dma semaphore(%run_scoped3A : memref<!tpu.dma_semaphore, #tpu.memory_space<semaphore_mem>>) src(%dma_wait3A_28 : memref<10000x128xf32, #tpu.memory_space<hbm>>) dst(%arg9 : memref<128x128xf32, #tpu.memory_space<vmem>>)
        tpu.yield
      }) : () -> ()
      "tpu.region"() ({
        %run_scoped3A = tpu.sem_alloc : memref<!tpu.dma_semaphore, #tpu.memory_space<semaphore_mem>>
        %dma_start3A = arith.constant 0 : i32
        %dma_start3A_19 = tpu.memref_slice %arg8[%scan3A_18, %dma_start3A] : memref<79x128xi32, #tpu.memory_space<vmem>> -> memref<1x128xi32, #tpu.memory_space<vmem>>
        %dma_start3A_20 = tpu.memref_squeeze %dma_start3A_19 : memref<1x128xi32, #tpu.memory_space<vmem>> -> memref<128xi32, #tpu.memory_space<vmem>>
        %dma_start3A_21 = arith.constant 0 : i32
        %dma_start3A_22 = arith.constant 0 : i32
        %dma_start3A_23 = tpu.memref_slice %arg10[%dma_start3A_21, %dma_start3A_22] : memref<10752x128xf32, #tpu.memory_space<vmem_shared>> -> memref<10752x128xf32, #tpu.memory_space<vmem_shared>>
        tpu.enqueue_indirect_dma source(%arg9 : memref<128x128xf32, #tpu.memory_space<vmem>>) target(%dma_start3A_23 : memref<10752x128xf32, #tpu.memory_space<vmem_shared>>) offsets(%dma_start3A_20 : memref<128xi32, #tpu.memory_space<vmem>>) semaphore(%run_scoped3A : memref<!tpu.dma_semaphore, #tpu.memory_space<semaphore_mem>>) {add = true}
        %dma_wait3A = arith.constant 0 : i32
        %dma_wait3A_24 = tpu.memref_slice %arg8[%scan3A_18, %dma_wait3A] : memref<79x128xi32, #tpu.memory_space<vmem>> -> memref<1x128xi32, #tpu.memory_space<vmem>>
        %dma_wait3A_25 = tpu.memref_squeeze %dma_wait3A_24 : memref<1x128xi32, #tpu.memory_space<vmem>> -> memref<128xi32, #tpu.memory_space<vmem>>
        %dma_wait3A_26 = arith.constant 0 : i32
        %dma_wait3A_27 = arith.constant 0 : i32
        %dma_wait3A_28 = tpu.memref_slice %arg10[%dma_wait3A_26, %dma_wait3A_27] : memref<10752x128xf32, #tpu.memory_space<vmem_shared>> -> memref<10752x128xf32, #tpu.memory_space<vmem_shared>>
        tpu.wait_indirect_dma semaphore(%run_scoped3A : memref<!tpu.dma_semaphore, #tpu.memory_space<semaphore_mem>>) src(%arg9 : memref<128x128xf32, #tpu.memory_space<vmem>>) dst(%dma_wait3A_28 : memref<10752x128xf32, #tpu.memory_space<vmem_shared>>)
        tpu.yield
      }) : () -> ()
    }
    %scan3A_7 = arith.constant 79 : i32
    %barrier3A_8 = arith.constant 0 : index
    tpu.barrier barrier_id(%barrier3A_8)
    %mul3A_9 = arith.constant 672 : i32
    %mul3A_10 = arith.muli %arg1, %mul3A_9 : i32
    %mul3A_11 = arith.constant 672 : i32
    %mul3A_12 = arith.muli %arg1, %mul3A_11 : i32
    "tpu.region"() ({
      %run_scoped3A = tpu.sem_alloc : memref<!tpu.dma_semaphore, #tpu.memory_space<semaphore_mem>>
      %dma_start3A = arith.constant 0 : i32
      %dma_start3A_18 = tpu.memref_slice %arg6[%arg0, %mul3A_12, %dma_start3A] : memref<2x10752x128xf32, #tpu.memory_space<hbm>> -> memref<1x672x128xf32, #tpu.memory_space<hbm>>
      %dma_start3A_19 = tpu.memref_squeeze %dma_start3A_18 : memref<1x672x128xf32, #tpu.memory_space<hbm>> -> memref<672x128xf32, #tpu.memory_space<hbm>>
      %dma_start3A_20 = arith.constant 0 : i32
      %dma_start3A_21 = tpu.memref_slice %arg10[%mul3A_10, %dma_start3A_20] : memref<10752x128xf32, #tpu.memory_space<vmem_shared>> -> memref<672x128xf32, #tpu.memory_space<vmem_shared>>
      tpu.enqueue_dma source(%dma_start3A_21 : memref<672x128xf32, #tpu.memory_space<vmem_shared>>) target(%dma_start3A_19 : memref<672x128xf32, #tpu.memory_space<hbm>>) target_semaphore(%run_scoped3A : memref<!tpu.dma_semaphore, #tpu.memory_space<semaphore_mem>>)
      %dma_wait3A = arith.constant 0 : i32
      %dma_wait3A_22 = tpu.memref_slice %arg6[%arg0, %mul3A_12, %dma_wait3A] : memref<2x10752x128xf32, #tpu.memory_space<hbm>> -> memref<1x672x128xf32, #tpu.memory_space<hbm>>
      %dma_wait3A_23 = tpu.memref_squeeze %dma_wait3A_22 : memref<1x672x128xf32, #tpu.memory_space<hbm>> -> memref<672x128xf32, #tpu.memory_space<hbm>>
      %dma_wait3A_24 = arith.constant 0 : i32
      %dma_wait3A_25 = tpu.memref_slice %arg10[%mul3A_10, %dma_wait3A_24] : memref<10752x128xf32, #tpu.memory_space<vmem_shared>> -> memref<672x128xf32, #tpu.memory_space<vmem_shared>>
      tpu.wait_dma2 semaphore(%run_scoped3A : memref<!tpu.dma_semaphore, #tpu.memory_space<semaphore_mem>>) src(%dma_wait3A_25 : memref<672x128xf32, #tpu.memory_space<vmem_shared>>) dst(%dma_wait3A_23 : memref<672x128xf32, #tpu.memory_space<hbm>>)
      tpu.yield
    }) : () -> ()
    %barrier3A_13 = arith.constant 0 : index
    tpu.barrier barrier_id(%barrier3A_13)
    %mul3A_14 = arith.constant 672 : i32
    %mul3A_15 = arith.muli %arg1, %mul3A_14 : i32
    %mul3A_16 = arith.constant 672 : i32
    %mul3A_17 = arith.muli %arg1, %mul3A_16 : i32
    "tpu.region"() ({
      %run_scoped3A = tpu.sem_alloc : memref<!tpu.dma_semaphore, #tpu.memory_space<semaphore_mem>>
      %dma_start3A = arith.constant 0 : i32
      %dma_start3A_18 = tpu.memref_slice %arg6[%arg0, %mul3A_17, %dma_start3A] : memref<2x10752x128xf32, #tpu.memory_space<hbm>> -> memref<1x672x128xf32, #tpu.memory_space<hbm>>
      %dma_start3A_19 = tpu.memref_squeeze %dma_start3A_18 : memref<1x672x128xf32, #tpu.memory_space<hbm>> -> memref<672x128xf32, #tpu.memory_space<hbm>>
      %dma_start3A_20 = arith.constant 0 : i32
      %dma_start3A_21 = tpu.memref_slice %arg10[%mul3A_15, %dma_start3A_20] : memref<10752x128xf32, #tpu.memory_space<vmem_shared>> -> memref<672x128xf32, #tpu.memory_space<vmem_shared>>
      tpu.enqueue_dma source(%dma_start3A_21 : memref<672x128xf32, #tpu.memory_space<vmem_shared>>) target(%dma_start3A_19 : memref<672x128xf32, #tpu.memory_space<hbm>>) target_semaphore(%run_scoped3A : memref<!tpu.dma_semaphore, #tpu.memory_space<semaphore_mem>>)
      %dma_wait3A = arith.constant 0 : i32
      %dma_wait3A_22 = tpu.memref_slice %arg6[%arg0, %mul3A_17, %dma_wait3A] : memref<2x10752x128xf32, #tpu.memory_space<hbm>> -> memref<1x672x128xf32, #tpu.memory_space<hbm>>
      %dma_wait3A_23 = tpu.memref_squeeze %dma_wait3A_22 : memref<1x672x128xf32, #tpu.memory_space<hbm>> -> memref<672x128xf32, #tpu.memory_space<hbm>>
      %dma_wait3A_24 = arith.constant 0 : i32
      %dma_wait3A_25 = tpu.memref_slice %arg10[%mul3A_15, %dma_wait3A_24] : memref<10752x128xf32, #tpu.memory_space<vmem_shared>> -> memref<672x128xf32, #tpu.memory_space<vmem_shared>>
      tpu.wait_dma2 semaphore(%run_scoped3A : memref<!tpu.dma_semaphore, #tpu.memory_space<semaphore_mem>>) src(%dma_wait3A_25 : memref<672x128xf32, #tpu.memory_space<vmem_shared>>) dst(%dma_wait3A_23 : memref<672x128xf32, #tpu.memory_space<hbm>>)
      tpu.yield
    }) : () -> ()
    return
  }
}

#map = affine_map<(d0, d1) -> (0, 0)>
#map1 = affine_map<(d0, d1) -> (0, 0, 0)>
module attributes {stable_mosaic.version = 14 : i64} {
  func.func @_sc_agg(%arg0: i32, %arg1: i32, %arg2: memref<10000x128xf32, #tpu.memory_space<hbm>>, %arg3: memref<32x79x128xi32, #tpu.memory_space<hbm>>, %arg4: memref<32x79x128xi32, #tpu.memory_space<hbm>>, %arg5: memref<672x128xf32, #tpu.memory_space<hbm>>, %arg6: memref<2x10752x128xf32, #tpu.memory_space<hbm>>, %arg7: memref<79x128xi32, #tpu.memory_space<vmem>>, %arg8: memref<79x128xi32, #tpu.memory_space<vmem>>, %arg9: memref<128x128xf32, #tpu.memory_space<vmem>>, %arg10: memref<10752x128xf32, #tpu.memory_space<vmem_shared>>) attributes {dimension_semantics = [#tpu.dimension_semantics<core_parallel>, #tpu.dimension_semantics<subcore_parallel>], iteration_bounds = array<i64: 2, 16>, scalar_prefetch = 0 : i64, scratch_operands = 4 : i64, tpu.core_type = #tpu.core_type<sc_vector_subcore>, window_params = [{transform_indices = #map}, {transform_indices = #map1}, {transform_indices = #map1}, {transform_indices = #map}, {transform_indices = #map1}]} {
    %mul3A = arith.constant 2 : i32
    %mul3A_0 = arith.muli %arg1, %mul3A : i32
    %add3A = arith.addi %mul3A_0, %arg0 : i32
    %mul3A_1 = arith.constant 672 : i32
    %mul3A_2 = arith.muli %arg1, %mul3A_1 : i32
    "tpu.region"() ({
      %run_scoped3A = tpu.sem_alloc : memref<!tpu.dma_semaphore, #tpu.memory_space<semaphore_mem>>
      %dma_start3A = arith.constant 0 : i32
      %dma_start3A_18 = tpu.memref_slice %arg10[%mul3A_2, %dma_start3A] : memref<10752x128xf32, #tpu.memory_space<vmem_shared>> -> memref<672x128xf32, #tpu.memory_space<vmem_shared>>
      tpu.enqueue_dma source(%arg5 : memref<672x128xf32, #tpu.memory_space<hbm>>) target(%dma_start3A_18 : memref<672x128xf32, #tpu.memory_space<vmem_shared>>) target_semaphore(%run_scoped3A : memref<!tpu.dma_semaphore, #tpu.memory_space<semaphore_mem>>)
      %dma_wait3A = arith.constant 0 : i32
      %dma_wait3A_19 = tpu.memref_slice %arg10[%mul3A_2, %dma_wait3A] : memref<10752x128xf32, #tpu.memory_space<vmem_shared>> -> memref<672x128xf32, #tpu.memory_space<vmem_shared>>
      tpu.wait_dma2 semaphore(%run_scoped3A : memref<!tpu.dma_semaphore, #tpu.memory_space<semaphore_mem>>) src(%arg5 : memref<672x128xf32, #tpu.memory_space<hbm>>) dst(%dma_wait3A_19 : memref<672x128xf32, #tpu.memory_space<vmem_shared>>)
      tpu.yield
    }) : () -> ()
    "tpu.region"() ({
      %run_scoped3A = tpu.sem_alloc : memref<!tpu.dma_semaphore, #tpu.memory_space<semaphore_mem>>
      %dma_start3A = arith.constant 0 : i32
      %dma_start3A_18 = arith.constant 0 : i32
      %dma_start3A_19 = tpu.memref_slice %arg3[%add3A, %dma_start3A, %dma_start3A_18] : memref<32x79x128xi32, #tpu.memory_space<hbm>> -> memref<1x79x128xi32, #tpu.memory_space<hbm>>
      %dma_start3A_20 = tpu.memref_squeeze %dma_start3A_19 : memref<1x79x128xi32, #tpu.memory_space<hbm>> -> memref<79x128xi32, #tpu.memory_space<hbm>>
      %dma_start3A_21 = arith.constant 0 : i32
      %dma_start3A_22 = arith.constant 0 : i32
      %dma_start3A_23 = tpu.memref_slice %arg3[%add3A, %dma_start3A_21, %dma_start3A_22] : memref<32x79x128xi32, #tpu.memory_space<hbm>> -> memref<1x79x128xi32, #tpu.memory_space<hbm>>
      %dma_start3A_24 = tpu.memref_squeeze %dma_start3A_23 : memref<1x79x128xi32, #tpu.memory_space<hbm>> -> memref<79x128xi32, #tpu.memory_space<hbm>>
      tpu.enqueue_dma source(%dma_start3A_24 : memref<79x128xi32, #tpu.memory_space<hbm>>) target(%arg7 : memref<79x128xi32, #tpu.memory_space<vmem>>) target_semaphore(%run_scoped3A : memref<!tpu.dma_semaphore, #tpu.memory_space<semaphore_mem>>)
      %dma_wait3A = arith.constant 0 : i32
      %dma_wait3A_25 = arith.constant 0 : i32
      %dma_wait3A_26 = tpu.memref_slice %arg3[%add3A, %dma_wait3A, %dma_wait3A_25] : memref<32x79x128xi32, #tpu.memory_space<hbm>> -> memref<1x79x128xi32, #tpu.memory_space<hbm>>
      %dma_wait3A_27 = tpu.memref_squeeze %dma_wait3A_26 : memref<1x79x128xi32, #tpu.memory_space<hbm>> -> memref<79x128xi32, #tpu.memory_space<hbm>>
      %dma_wait3A_28 = arith.constant 0 : i32
      %dma_wait3A_29 = arith.constant 0 : i32
      %dma_wait3A_30 = tpu.memref_slice %arg3[%add3A, %dma_wait3A_28, %dma_wait3A_29] : memref<32x79x128xi32, #tpu.memory_space<hbm>> -> memref<1x79x128xi32, #tpu.memory_space<hbm>>
      %dma_wait3A_31 = tpu.memref_squeeze %dma_wait3A_30 : memref<1x79x128xi32, #tpu.memory_space<hbm>> -> memref<79x128xi32, #tpu.memory_space<hbm>>
      tpu.wait_dma2 semaphore(%run_scoped3A : memref<!tpu.dma_semaphore, #tpu.memory_space<semaphore_mem>>) src(%dma_wait3A_31 : memref<79x128xi32, #tpu.memory_space<hbm>>) dst(%arg7 : memref<79x128xi32, #tpu.memory_space<vmem>>)
      tpu.yield
    }) : () -> ()
    "tpu.region"() ({
      %run_scoped3A = tpu.sem_alloc : memref<!tpu.dma_semaphore, #tpu.memory_space<semaphore_mem>>
      %dma_start3A = arith.constant 0 : i32
      %dma_start3A_18 = arith.constant 0 : i32
      %dma_start3A_19 = tpu.memref_slice %arg4[%add3A, %dma_start3A, %dma_start3A_18] : memref<32x79x128xi32, #tpu.memory_space<hbm>> -> memref<1x79x128xi32, #tpu.memory_space<hbm>>
      %dma_start3A_20 = tpu.memref_squeeze %dma_start3A_19 : memref<1x79x128xi32, #tpu.memory_space<hbm>> -> memref<79x128xi32, #tpu.memory_space<hbm>>
      %dma_start3A_21 = arith.constant 0 : i32
      %dma_start3A_22 = arith.constant 0 : i32
      %dma_start3A_23 = tpu.memref_slice %arg4[%add3A, %dma_start3A_21, %dma_start3A_22] : memref<32x79x128xi32, #tpu.memory_space<hbm>> -> memref<1x79x128xi32, #tpu.memory_space<hbm>>
      %dma_start3A_24 = tpu.memref_squeeze %dma_start3A_23 : memref<1x79x128xi32, #tpu.memory_space<hbm>> -> memref<79x128xi32, #tpu.memory_space<hbm>>
      tpu.enqueue_dma source(%dma_start3A_24 : memref<79x128xi32, #tpu.memory_space<hbm>>) target(%arg8 : memref<79x128xi32, #tpu.memory_space<vmem>>) target_semaphore(%run_scoped3A : memref<!tpu.dma_semaphore, #tpu.memory_space<semaphore_mem>>)
      %dma_wait3A = arith.constant 0 : i32
      %dma_wait3A_25 = arith.constant 0 : i32
      %dma_wait3A_26 = tpu.memref_slice %arg4[%add3A, %dma_wait3A, %dma_wait3A_25] : memref<32x79x128xi32, #tpu.memory_space<hbm>> -> memref<1x79x128xi32, #tpu.memory_space<hbm>>
      %dma_wait3A_27 = tpu.memref_squeeze %dma_wait3A_26 : memref<1x79x128xi32, #tpu.memory_space<hbm>> -> memref<79x128xi32, #tpu.memory_space<hbm>>
      %dma_wait3A_28 = arith.constant 0 : i32
      %dma_wait3A_29 = arith.constant 0 : i32
      %dma_wait3A_30 = tpu.memref_slice %arg4[%add3A, %dma_wait3A_28, %dma_wait3A_29] : memref<32x79x128xi32, #tpu.memory_space<hbm>> -> memref<1x79x128xi32, #tpu.memory_space<hbm>>
      %dma_wait3A_31 = tpu.memref_squeeze %dma_wait3A_30 : memref<1x79x128xi32, #tpu.memory_space<hbm>> -> memref<79x128xi32, #tpu.memory_space<hbm>>
      tpu.wait_dma2 semaphore(%run_scoped3A : memref<!tpu.dma_semaphore, #tpu.memory_space<semaphore_mem>>) src(%dma_wait3A_31 : memref<79x128xi32, #tpu.memory_space<hbm>>) dst(%arg8 : memref<79x128xi32, #tpu.memory_space<vmem>>)
      tpu.yield
    }) : () -> ()
    %barrier3A = arith.constant 0 : index
    tpu.barrier barrier_id(%barrier3A)
    %scan3A = arith.constant 0 : i32
    %scan3A_3 = arith.constant 0 : i32
    %scan3A_4 = arith.constant 79 : i32
    %scan3A_5 = arith.addi %scan3A_3, %scan3A_4 : i32
    %scan3A_6 = arith.constant 1 : i32
    scf.for %scan3A_18 = %scan3A_3 to %scan3A_5 step %scan3A_6  : i32 {
      "tpu.region"() ({
        %run_scoped3A = tpu.sem_alloc : memref<!tpu.dma_semaphore, #tpu.memory_space<semaphore_mem>>
        %dma_start3A = arith.constant 0 : i32
        %dma_start3A_19 = tpu.memref_slice %arg7[%scan3A_18, %dma_start3A] : memref<79x128xi32, #tpu.memory_space<vmem>> -> memref<1x128xi32, #tpu.memory_space<vmem>>
        %dma_start3A_20 = tpu.memref_squeeze %dma_start3A_19 : memref<1x128xi32, #tpu.memory_space<vmem>> -> memref<128xi32, #tpu.memory_space<vmem>>
        %dma_start3A_21 = arith.constant 0 : i32
        %dma_start3A_22 = arith.constant 0 : i32
        %dma_start3A_23 = tpu.memref_slice %arg2[%dma_start3A_21, %dma_start3A_22] : memref<10000x128xf32, #tpu.memory_space<hbm>> -> memref<10000x128xf32, #tpu.memory_space<hbm>>
        tpu.enqueue_indirect_dma source(%dma_start3A_23 : memref<10000x128xf32, #tpu.memory_space<hbm>>) target(%arg9 : memref<128x128xf32, #tpu.memory_space<vmem>>) offsets(%dma_start3A_20 : memref<128xi32, #tpu.memory_space<vmem>>) semaphore(%run_scoped3A : memref<!tpu.dma_semaphore, #tpu.memory_space<semaphore_mem>>)
        %dma_wait3A = arith.constant 0 : i32
        %dma_wait3A_24 = tpu.memref_slice %arg7[%scan3A_18, %dma_wait3A] : memref<79x128xi32, #tpu.memory_space<vmem>> -> memref<1x128xi32, #tpu.memory_space<vmem>>
        %dma_wait3A_25 = tpu.memref_squeeze %dma_wait3A_24 : memref<1x128xi32, #tpu.memory_space<vmem>> -> memref<128xi32, #tpu.memory_space<vmem>>
        %dma_wait3A_26 = arith.constant 0 : i32
        %dma_wait3A_27 = arith.constant 0 : i32
        %dma_wait3A_28 = tpu.memref_slice %arg2[%dma_wait3A_26, %dma_wait3A_27] : memref<10000x128xf32, #tpu.memory_space<hbm>> -> memref<10000x128xf32, #tpu.memory_space<hbm>>
        tpu.wait_indirect_dma semaphore(%run_scoped3A : memref<!tpu.dma_semaphore, #tpu.memory_space<semaphore_mem>>) src(%dma_wait3A_28 : memref<10000x128xf32, #tpu.memory_space<hbm>>) dst(%arg9 : memref<128x128xf32, #tpu.memory_space<vmem>>)
        tpu.yield
      }) : () -> ()
      "tpu.region"() ({
        %run_scoped3A = tpu.sem_alloc : memref<!tpu.dma_semaphore, #tpu.memory_space<semaphore_mem>>
        %dma_start3A = arith.constant 0 : i32
        %dma_start3A_19 = tpu.memref_slice %arg8[%scan3A_18, %dma_start3A] : memref<79x128xi32, #tpu.memory_space<vmem>> -> memref<1x128xi32, #tpu.memory_space<vmem>>
        %dma_start3A_20 = tpu.memref_squeeze %dma_start3A_19 : memref<1x128xi32, #tpu.memory_space<vmem>> -> memref<128xi32, #tpu.memory_space<vmem>>
        %dma_start3A_21 = arith.constant 0 : i32
        %dma_start3A_22 = arith.constant 0 : i32
        %dma_start3A_23 = tpu.memref_slice %arg10[%dma_start3A_21, %dma_start3A_22] : memref<10752x128xf32, #tpu.memory_space<vmem_shared>> -> memref<10752x128xf32, #tpu.memory_space<vmem_shared>>
        tpu.enqueue_indirect_dma source(%arg9 : memref<128x128xf32, #tpu.memory_space<vmem>>) target(%dma_start3A_23 : memref<10752x128xf32, #tpu.memory_space<vmem_shared>>) offsets(%dma_start3A_20 : memref<128xi32, #tpu.memory_space<vmem>>) semaphore(%run_scoped3A : memref<!tpu.dma_semaphore, #tpu.memory_space<semaphore_mem>>) {add = true}
        %dma_wait3A = arith.constant 0 : i32
        %dma_wait3A_24 = tpu.memref_slice %arg8[%scan3A_18, %dma_wait3A] : memref<79x128xi32, #tpu.memory_space<vmem>> -> memref<1x128xi32, #tpu.memory_space<vmem>>
        %dma_wait3A_25 = tpu.memref_squeeze %dma_wait3A_24 : memref<1x128xi32, #tpu.memory_space<vmem>> -> memref<128xi32, #tpu.memory_space<vmem>>
        %dma_wait3A_26 = arith.constant 0 : i32
        %dma_wait3A_27 = arith.constant 0 : i32
        %dma_wait3A_28 = tpu.memref_slice %arg10[%dma_wait3A_26, %dma_wait3A_27] : memref<10752x128xf32, #tpu.memory_space<vmem_shared>> -> memref<10752x128xf32, #tpu.memory_space<vmem_shared>>
        tpu.wait_indirect_dma semaphore(%run_scoped3A : memref<!tpu.dma_semaphore, #tpu.memory_space<semaphore_mem>>) src(%arg9 : memref<128x128xf32, #tpu.memory_space<vmem>>) dst(%dma_wait3A_28 : memref<10752x128xf32, #tpu.memory_space<vmem_shared>>)
        tpu.yield
      }) : () -> ()
    }
    %scan3A_7 = arith.constant 79 : i32
    %barrier3A_8 = arith.constant 0 : index
    tpu.barrier barrier_id(%barrier3A_8)
    %mul3A_9 = arith.constant 672 : i32
    %mul3A_10 = arith.muli %arg1, %mul3A_9 : i32
    %mul3A_11 = arith.constant 672 : i32
    %mul3A_12 = arith.muli %arg1, %mul3A_11 : i32
    "tpu.region"() ({
      %run_scoped3A = tpu.sem_alloc : memref<!tpu.dma_semaphore, #tpu.memory_space<semaphore_mem>>
      %dma_start3A = arith.constant 0 : i32
      %dma_start3A_18 = tpu.memref_slice %arg6[%arg0, %mul3A_12, %dma_start3A] : memref<2x10752x128xf32, #tpu.memory_space<hbm>> -> memref<1x672x128xf32, #tpu.memory_space<hbm>>
      %dma_start3A_19 = tpu.memref_squeeze %dma_start3A_18 : memref<1x672x128xf32, #tpu.memory_space<hbm>> -> memref<672x128xf32, #tpu.memory_space<hbm>>
      %dma_start3A_20 = arith.constant 0 : i32
      %dma_start3A_21 = tpu.memref_slice %arg10[%mul3A_10, %dma_start3A_20] : memref<10752x128xf32, #tpu.memory_space<vmem_shared>> -> memref<672x128xf32, #tpu.memory_space<vmem_shared>>
      tpu.enqueue_dma source(%dma_start3A_21 : memref<672x128xf32, #tpu.memory_space<vmem_shared>>) target(%dma_start3A_19 : memref<672x128xf32, #tpu.memory_space<hbm>>) target_semaphore(%run_scoped3A : memref<!tpu.dma_semaphore, #tpu.memory_space<semaphore_mem>>)
      %dma_wait3A = arith.constant 0 : i32
      %dma_wait3A_22 = tpu.memref_slice %arg6[%arg0, %mul3A_12, %dma_wait3A] : memref<2x10752x128xf32, #tpu.memory_space<hbm>> -> memref<1x672x128xf32, #tpu.memory_space<hbm>>
      %dma_wait3A_23 = tpu.memref_squeeze %dma_wait3A_22 : memref<1x672x128xf32, #tpu.memory_space<hbm>> -> memref<672x128xf32, #tpu.memory_space<hbm>>
      %dma_wait3A_24 = arith.constant 0 : i32
      %dma_wait3A_25 = tpu.memref_slice %arg10[%mul3A_10, %dma_wait3A_24] : memref<10752x128xf32, #tpu.memory_space<vmem_shared>> -> memref<672x128xf32, #tpu.memory_space<vmem_shared>>
      tpu.wait_dma2 semaphore(%run_scoped3A : memref<!tpu.dma_semaphore, #tpu.memory_space<semaphore_mem>>) src(%dma_wait3A_25 : memref<672x128xf32, #tpu.memory_space<vmem_shared>>) dst(%dma_wait3A_23 : memref<672x128xf32, #tpu.memory_space<hbm>>)
      tpu.yield
    }) : () -> ()
    %barrier3A_13 = arith.constant 0 : index
    tpu.barrier barrier_id(%barrier3A_13)
    %mul3A_14 = arith.constant 672 : i32
    %mul3A_15 = arith.muli %arg1, %mul3A_14 : i32
    %mul3A_16 = arith.constant 672 : i32
    %mul3A_17 = arith.muli %arg1, %mul3A_16 : i32
    "tpu.region"() ({
      %run_scoped3A = tpu.sem_alloc : memref<!tpu.dma_semaphore, #tpu.memory_space<semaphore_mem>>
      %dma_start3A = arith.constant 0 : i32
      %dma_start3A_18 = tpu.memref_slice %arg6[%arg0, %mul3A_17, %dma_start3A] : memref<2x10752x128xf32, #tpu.memory_space<hbm>> -> memref<1x672x128xf32, #tpu.memory_space<hbm>>
      %dma_start3A_19 = tpu.memref_squeeze %dma_start3A_18 : memref<1x672x128xf32, #tpu.memory_space<hbm>> -> memref<672x128xf32, #tpu.memory_space<hbm>>
      %dma_start3A_20 = arith.constant 0 : i32
      %dma_start3A_21 = tpu.memref_slice %arg10[%mul3A_15, %dma_start3A_20] : memref<10752x128xf32, #tpu.memory_space<vmem_shared>> -> memref<672x128xf32, #tpu.memory_space<vmem_shared>>
      tpu.enqueue_dma source(%dma_start3A_21 : memref<672x128xf32, #tpu.memory_space<vmem_shared>>) target(%dma_start3A_19 : memref<672x128xf32, #tpu.memory_space<hbm>>) target_semaphore(%run_scoped3A : memref<!tpu.dma_semaphore, #tpu.memory_space<semaphore_mem>>)
      %dma_wait3A = arith.constant 0 : i32
      %dma_wait3A_22 = tpu.memref_slice %arg6[%arg0, %mul3A_17, %dma_wait3A] : memref<2x10752x128xf32, #tpu.memory_space<hbm>> -> memref<1x672x128xf32, #tpu.memory_space<hbm>>
      %dma_wait3A_23 = tpu.memref_squeeze %dma_wait3A_22 : memref<1x672x128xf32, #tpu.memory_space<hbm>> -> memref<672x128xf32, #tpu.memory_space<hbm>>
      %dma_wait3A_24 = arith.constant 0 : i32
      %dma_wait3A_25 = tpu.memref_slice %arg10[%mul3A_15, %dma_wait3A_24] : memref<10752x128xf32, #tpu.memory_space<vmem_shared>> -> memref<672x128xf32, #tpu.memory_space<vmem_shared>>
      tpu.wait_dma2 semaphore(%run_scoped3A : memref<!tpu.dma_semaphore, #tpu.memory_space<semaphore_mem>>) src(%dma_wait3A_25 : memref<672x128xf32, #tpu.memory_space<vmem_shared>>) dst(%dma_wait3A_23 : memref<672x128xf32, #tpu.memory_space<hbm>>)
      tpu.yield
    }) : () -> ()
    return
  }
}

#map = affine_map<(d0, d1) -> (0, 0)>
#map1 = affine_map<(d0, d1) -> (0, 0, 0)>
module attributes {stable_mosaic.version = 14 : i64} {
  func.func @_sc_agg(%arg0: i32, %arg1: i32, %arg2: memref<10000x128xf32, #tpu.memory_space<hbm>>, %arg3: memref<32x79x128xi32, #tpu.memory_space<hbm>>, %arg4: memref<32x79x128xi32, #tpu.memory_space<hbm>>, %arg5: memref<672x128xf32, #tpu.memory_space<hbm>>, %arg6: memref<2x10752x128xf32, #tpu.memory_space<hbm>>, %arg7: memref<79x128xi32, #tpu.memory_space<vmem>>, %arg8: memref<79x128xi32, #tpu.memory_space<vmem>>, %arg9: memref<128x128xf32, #tpu.memory_space<vmem>>, %arg10: memref<10752x128xf32, #tpu.memory_space<vmem_shared>>) attributes {dimension_semantics = [#tpu.dimension_semantics<core_parallel>, #tpu.dimension_semantics<subcore_parallel>], iteration_bounds = array<i64: 2, 16>, scalar_prefetch = 0 : i64, scratch_operands = 4 : i64, tpu.core_type = #tpu.core_type<sc_vector_subcore>, window_params = [{transform_indices = #map}, {transform_indices = #map1}, {transform_indices = #map1}, {transform_indices = #map}, {transform_indices = #map1}]} {
    %mul3A = arith.constant 2 : i32
    %mul3A_0 = arith.muli %arg1, %mul3A : i32
    %add3A = arith.addi %mul3A_0, %arg0 : i32
    %mul3A_1 = arith.constant 672 : i32
    %mul3A_2 = arith.muli %arg1, %mul3A_1 : i32
    "tpu.region"() ({
      %run_scoped3A = tpu.sem_alloc : memref<!tpu.dma_semaphore, #tpu.memory_space<semaphore_mem>>
      %dma_start3A = arith.constant 0 : i32
      %dma_start3A_18 = tpu.memref_slice %arg10[%mul3A_2, %dma_start3A] : memref<10752x128xf32, #tpu.memory_space<vmem_shared>> -> memref<672x128xf32, #tpu.memory_space<vmem_shared>>
      tpu.enqueue_dma source(%arg5 : memref<672x128xf32, #tpu.memory_space<hbm>>) target(%dma_start3A_18 : memref<672x128xf32, #tpu.memory_space<vmem_shared>>) target_semaphore(%run_scoped3A : memref<!tpu.dma_semaphore, #tpu.memory_space<semaphore_mem>>)
      %dma_wait3A = arith.constant 0 : i32
      %dma_wait3A_19 = tpu.memref_slice %arg10[%mul3A_2, %dma_wait3A] : memref<10752x128xf32, #tpu.memory_space<vmem_shared>> -> memref<672x128xf32, #tpu.memory_space<vmem_shared>>
      tpu.wait_dma2 semaphore(%run_scoped3A : memref<!tpu.dma_semaphore, #tpu.memory_space<semaphore_mem>>) src(%arg5 : memref<672x128xf32, #tpu.memory_space<hbm>>) dst(%dma_wait3A_19 : memref<672x128xf32, #tpu.memory_space<vmem_shared>>)
      tpu.yield
    }) : () -> ()
    "tpu.region"() ({
      %run_scoped3A = tpu.sem_alloc : memref<!tpu.dma_semaphore, #tpu.memory_space<semaphore_mem>>
      %dma_start3A = arith.constant 0 : i32
      %dma_start3A_18 = arith.constant 0 : i32
      %dma_start3A_19 = tpu.memref_slice %arg3[%add3A, %dma_start3A, %dma_start3A_18] : memref<32x79x128xi32, #tpu.memory_space<hbm>> -> memref<1x79x128xi32, #tpu.memory_space<hbm>>
      %dma_start3A_20 = tpu.memref_squeeze %dma_start3A_19 : memref<1x79x128xi32, #tpu.memory_space<hbm>> -> memref<79x128xi32, #tpu.memory_space<hbm>>
      %dma_start3A_21 = arith.constant 0 : i32
      %dma_start3A_22 = arith.constant 0 : i32
      %dma_start3A_23 = tpu.memref_slice %arg3[%add3A, %dma_start3A_21, %dma_start3A_22] : memref<32x79x128xi32, #tpu.memory_space<hbm>> -> memref<1x79x128xi32, #tpu.memory_space<hbm>>
      %dma_start3A_24 = tpu.memref_squeeze %dma_start3A_23 : memref<1x79x128xi32, #tpu.memory_space<hbm>> -> memref<79x128xi32, #tpu.memory_space<hbm>>
      tpu.enqueue_dma source(%dma_start3A_24 : memref<79x128xi32, #tpu.memory_space<hbm>>) target(%arg7 : memref<79x128xi32, #tpu.memory_space<vmem>>) target_semaphore(%run_scoped3A : memref<!tpu.dma_semaphore, #tpu.memory_space<semaphore_mem>>)
      %dma_wait3A = arith.constant 0 : i32
      %dma_wait3A_25 = arith.constant 0 : i32
      %dma_wait3A_26 = tpu.memref_slice %arg3[%add3A, %dma_wait3A, %dma_wait3A_25] : memref<32x79x128xi32, #tpu.memory_space<hbm>> -> memref<1x79x128xi32, #tpu.memory_space<hbm>>
      %dma_wait3A_27 = tpu.memref_squeeze %dma_wait3A_26 : memref<1x79x128xi32, #tpu.memory_space<hbm>> -> memref<79x128xi32, #tpu.memory_space<hbm>>
      %dma_wait3A_28 = arith.constant 0 : i32
      %dma_wait3A_29 = arith.constant 0 : i32
      %dma_wait3A_30 = tpu.memref_slice %arg3[%add3A, %dma_wait3A_28, %dma_wait3A_29] : memref<32x79x128xi32, #tpu.memory_space<hbm>> -> memref<1x79x128xi32, #tpu.memory_space<hbm>>
      %dma_wait3A_31 = tpu.memref_squeeze %dma_wait3A_30 : memref<1x79x128xi32, #tpu.memory_space<hbm>> -> memref<79x128xi32, #tpu.memory_space<hbm>>
      tpu.wait_dma2 semaphore(%run_scoped3A : memref<!tpu.dma_semaphore, #tpu.memory_space<semaphore_mem>>) src(%dma_wait3A_31 : memref<79x128xi32, #tpu.memory_space<hbm>>) dst(%arg7 : memref<79x128xi32, #tpu.memory_space<vmem>>)
      tpu.yield
    }) : () -> ()
    "tpu.region"() ({
      %run_scoped3A = tpu.sem_alloc : memref<!tpu.dma_semaphore, #tpu.memory_space<semaphore_mem>>
      %dma_start3A = arith.constant 0 : i32
      %dma_start3A_18 = arith.constant 0 : i32
      %dma_start3A_19 = tpu.memref_slice %arg4[%add3A, %dma_start3A, %dma_start3A_18] : memref<32x79x128xi32, #tpu.memory_space<hbm>> -> memref<1x79x128xi32, #tpu.memory_space<hbm>>
      %dma_start3A_20 = tpu.memref_squeeze %dma_start3A_19 : memref<1x79x128xi32, #tpu.memory_space<hbm>> -> memref<79x128xi32, #tpu.memory_space<hbm>>
      %dma_start3A_21 = arith.constant 0 : i32
      %dma_start3A_22 = arith.constant 0 : i32
      %dma_start3A_23 = tpu.memref_slice %arg4[%add3A, %dma_start3A_21, %dma_start3A_22] : memref<32x79x128xi32, #tpu.memory_space<hbm>> -> memref<1x79x128xi32, #tpu.memory_space<hbm>>
      %dma_start3A_24 = tpu.memref_squeeze %dma_start3A_23 : memref<1x79x128xi32, #tpu.memory_space<hbm>> -> memref<79x128xi32, #tpu.memory_space<hbm>>
      tpu.enqueue_dma source(%dma_start3A_24 : memref<79x128xi32, #tpu.memory_space<hbm>>) target(%arg8 : memref<79x128xi32, #tpu.memory_space<vmem>>) target_semaphore(%run_scoped3A : memref<!tpu.dma_semaphore, #tpu.memory_space<semaphore_mem>>)
      %dma_wait3A = arith.constant 0 : i32
      %dma_wait3A_25 = arith.constant 0 : i32
      %dma_wait3A_26 = tpu.memref_slice %arg4[%add3A, %dma_wait3A, %dma_wait3A_25] : memref<32x79x128xi32, #tpu.memory_space<hbm>> -> memref<1x79x128xi32, #tpu.memory_space<hbm>>
      %dma_wait3A_27 = tpu.memref_squeeze %dma_wait3A_26 : memref<1x79x128xi32, #tpu.memory_space<hbm>> -> memref<79x128xi32, #tpu.memory_space<hbm>>
      %dma_wait3A_28 = arith.constant 0 : i32
      %dma_wait3A_29 = arith.constant 0 : i32
      %dma_wait3A_30 = tpu.memref_slice %arg4[%add3A, %dma_wait3A_28, %dma_wait3A_29] : memref<32x79x128xi32, #tpu.memory_space<hbm>> -> memref<1x79x128xi32, #tpu.memory_space<hbm>>
      %dma_wait3A_31 = tpu.memref_squeeze %dma_wait3A_30 : memref<1x79x128xi32, #tpu.memory_space<hbm>> -> memref<79x128xi32, #tpu.memory_space<hbm>>
      tpu.wait_dma2 semaphore(%run_scoped3A : memref<!tpu.dma_semaphore, #tpu.memory_space<semaphore_mem>>) src(%dma_wait3A_31 : memref<79x128xi32, #tpu.memory_space<hbm>>) dst(%arg8 : memref<79x128xi32, #tpu.memory_space<vmem>>)
      tpu.yield
    }) : () -> ()
    %barrier3A = arith.constant 0 : index
    tpu.barrier barrier_id(%barrier3A)
    %scan3A = arith.constant 0 : i32
    %scan3A_3 = arith.constant 0 : i32
    %scan3A_4 = arith.constant 79 : i32
    %scan3A_5 = arith.addi %scan3A_3, %scan3A_4 : i32
    %scan3A_6 = arith.constant 1 : i32
    scf.for %scan3A_18 = %scan3A_3 to %scan3A_5 step %scan3A_6  : i32 {
      "tpu.region"() ({
        %run_scoped3A = tpu.sem_alloc : memref<!tpu.dma_semaphore, #tpu.memory_space<semaphore_mem>>
        %dma_start3A = arith.constant 0 : i32
        %dma_start3A_19 = tpu.memref_slice %arg7[%scan3A_18, %dma_start3A] : memref<79x128xi32, #tpu.memory_space<vmem>> -> memref<1x128xi32, #tpu.memory_space<vmem>>
        %dma_start3A_20 = tpu.memref_squeeze %dma_start3A_19 : memref<1x128xi32, #tpu.memory_space<vmem>> -> memref<128xi32, #tpu.memory_space<vmem>>
        %dma_start3A_21 = arith.constant 0 : i32
        %dma_start3A_22 = arith.constant 0 : i32
        %dma_start3A_23 = tpu.memref_slice %arg2[%dma_start3A_21, %dma_start3A_22] : memref<10000x128xf32, #tpu.memory_space<hbm>> -> memref<10000x128xf32, #tpu.memory_space<hbm>>
        tpu.enqueue_indirect_dma source(%dma_start3A_23 : memref<10000x128xf32, #tpu.memory_space<hbm>>) target(%arg9 : memref<128x128xf32, #tpu.memory_space<vmem>>) offsets(%dma_start3A_20 : memref<128xi32, #tpu.memory_space<vmem>>) semaphore(%run_scoped3A : memref<!tpu.dma_semaphore, #tpu.memory_space<semaphore_mem>>)
        %dma_wait3A = arith.constant 0 : i32
        %dma_wait3A_24 = tpu.memref_slice %arg7[%scan3A_18, %dma_wait3A] : memref<79x128xi32, #tpu.memory_space<vmem>> -> memref<1x128xi32, #tpu.memory_space<vmem>>
        %dma_wait3A_25 = tpu.memref_squeeze %dma_wait3A_24 : memref<1x128xi32, #tpu.memory_space<vmem>> -> memref<128xi32, #tpu.memory_space<vmem>>
        %dma_wait3A_26 = arith.constant 0 : i32
        %dma_wait3A_27 = arith.constant 0 : i32
        %dma_wait3A_28 = tpu.memref_slice %arg2[%dma_wait3A_26, %dma_wait3A_27] : memref<10000x128xf32, #tpu.memory_space<hbm>> -> memref<10000x128xf32, #tpu.memory_space<hbm>>
        tpu.wait_indirect_dma semaphore(%run_scoped3A : memref<!tpu.dma_semaphore, #tpu.memory_space<semaphore_mem>>) src(%dma_wait3A_28 : memref<10000x128xf32, #tpu.memory_space<hbm>>) dst(%arg9 : memref<128x128xf32, #tpu.memory_space<vmem>>)
        tpu.yield
      }) : () -> ()
      "tpu.region"() ({
        %run_scoped3A = tpu.sem_alloc : memref<!tpu.dma_semaphore, #tpu.memory_space<semaphore_mem>>
        %dma_start3A = arith.constant 0 : i32
        %dma_start3A_19 = tpu.memref_slice %arg8[%scan3A_18, %dma_start3A] : memref<79x128xi32, #tpu.memory_space<vmem>> -> memref<1x128xi32, #tpu.memory_space<vmem>>
        %dma_start3A_20 = tpu.memref_squeeze %dma_start3A_19 : memref<1x128xi32, #tpu.memory_space<vmem>> -> memref<128xi32, #tpu.memory_space<vmem>>
        %dma_start3A_21 = arith.constant 0 : i32
        %dma_start3A_22 = arith.constant 0 : i32
        %dma_start3A_23 = tpu.memref_slice %arg10[%dma_start3A_21, %dma_start3A_22] : memref<10752x128xf32, #tpu.memory_space<vmem_shared>> -> memref<10752x128xf32, #tpu.memory_space<vmem_shared>>
        tpu.enqueue_indirect_dma source(%arg9 : memref<128x128xf32, #tpu.memory_space<vmem>>) target(%dma_start3A_23 : memref<10752x128xf32, #tpu.memory_space<vmem_shared>>) offsets(%dma_start3A_20 : memref<128xi32, #tpu.memory_space<vmem>>) semaphore(%run_scoped3A : memref<!tpu.dma_semaphore, #tpu.memory_space<semaphore_mem>>) {add = true}
        %dma_wait3A = arith.constant 0 : i32
        %dma_wait3A_24 = tpu.memref_slice %arg8[%scan3A_18, %dma_wait3A] : memref<79x128xi32, #tpu.memory_space<vmem>> -> memref<1x128xi32, #tpu.memory_space<vmem>>
        %dma_wait3A_25 = tpu.memref_squeeze %dma_wait3A_24 : memref<1x128xi32, #tpu.memory_space<vmem>> -> memref<128xi32, #tpu.memory_space<vmem>>
        %dma_wait3A_26 = arith.constant 0 : i32
        %dma_wait3A_27 = arith.constant 0 : i32
        %dma_wait3A_28 = tpu.memref_slice %arg10[%dma_wait3A_26, %dma_wait3A_27] : memref<10752x128xf32, #tpu.memory_space<vmem_shared>> -> memref<10752x128xf32, #tpu.memory_space<vmem_shared>>
        tpu.wait_indirect_dma semaphore(%run_scoped3A : memref<!tpu.dma_semaphore, #tpu.memory_space<semaphore_mem>>) src(%arg9 : memref<128x128xf32, #tpu.memory_space<vmem>>) dst(%dma_wait3A_28 : memref<10752x128xf32, #tpu.memory_space<vmem_shared>>)
        tpu.yield
      }) : () -> ()
    }
    %scan3A_7 = arith.constant 79 : i32
    %barrier3A_8 = arith.constant 0 : index
    tpu.barrier barrier_id(%barrier3A_8)
    %mul3A_9 = arith.constant 672 : i32
    %mul3A_10 = arith.muli %arg1, %mul3A_9 : i32
    %mul3A_11 = arith.constant 672 : i32
    %mul3A_12 = arith.muli %arg1, %mul3A_11 : i32
    "tpu.region"() ({
      %run_scoped3A = tpu.sem_alloc : memref<!tpu.dma_semaphore, #tpu.memory_space<semaphore_mem>>
      %dma_start3A = arith.constant 0 : i32
      %dma_start3A_18 = tpu.memref_slice %arg6[%arg0, %mul3A_12, %dma_start3A] : memref<2x10752x128xf32, #tpu.memory_space<hbm>> -> memref<1x672x128xf32, #tpu.memory_space<hbm>>
      %dma_start3A_19 = tpu.memref_squeeze %dma_start3A_18 : memref<1x672x128xf32, #tpu.memory_space<hbm>> -> memref<672x128xf32, #tpu.memory_space<hbm>>
      %dma_start3A_20 = arith.constant 0 : i32
      %dma_start3A_21 = tpu.memref_slice %arg10[%mul3A_10, %dma_start3A_20] : memref<10752x128xf32, #tpu.memory_space<vmem_shared>> -> memref<672x128xf32, #tpu.memory_space<vmem_shared>>
      tpu.enqueue_dma source(%dma_start3A_21 : memref<672x128xf32, #tpu.memory_space<vmem_shared>>) target(%dma_start3A_19 : memref<672x128xf32, #tpu.memory_space<hbm>>) target_semaphore(%run_scoped3A : memref<!tpu.dma_semaphore, #tpu.memory_space<semaphore_mem>>)
      %dma_wait3A = arith.constant 0 : i32
      %dma_wait3A_22 = tpu.memref_slice %arg6[%arg0, %mul3A_12, %dma_wait3A] : memref<2x10752x128xf32, #tpu.memory_space<hbm>> -> memref<1x672x128xf32, #tpu.memory_space<hbm>>
      %dma_wait3A_23 = tpu.memref_squeeze %dma_wait3A_22 : memref<1x672x128xf32, #tpu.memory_space<hbm>> -> memref<672x128xf32, #tpu.memory_space<hbm>>
      %dma_wait3A_24 = arith.constant 0 : i32
      %dma_wait3A_25 = tpu.memref_slice %arg10[%mul3A_10, %dma_wait3A_24] : memref<10752x128xf32, #tpu.memory_space<vmem_shared>> -> memref<672x128xf32, #tpu.memory_space<vmem_shared>>
      tpu.wait_dma2 semaphore(%run_scoped3A : memref<!tpu.dma_semaphore, #tpu.memory_space<semaphore_mem>>) src(%dma_wait3A_25 : memref<672x128xf32, #tpu.memory_space<vmem_shared>>) dst(%dma_wait3A_23 : memref<672x128xf32, #tpu.memory_space<hbm>>)
      tpu.yield
    }) : () -> ()
    %barrier3A_13 = arith.constant 0 : index
    tpu.barrier barrier_id(%barrier3A_13)
    %mul3A_14 = arith.constant 672 : i32
    %mul3A_15 = arith.muli %arg1, %mul3A_14 : i32
    %mul3A_16 = arith.constant 672 : i32
    %mul3A_17 = arith.muli %arg1, %mul3A_16 : i32
    "tpu.region"() ({
      %run_scoped3A = tpu.sem_alloc : memref<!tpu.dma_semaphore, #tpu.memory_space<semaphore_mem>>
      %dma_start3A = arith.constant 0 : i32
      %dma_start3A_18 = tpu.memref_slice %arg6[%arg0, %mul3A_17, %dma_start3A] : memref<2x10752x128xf32, #tpu.memory_space<hbm>> -> memref<1x672x128xf32, #tpu.memory_space<hbm>>
      %dma_start3A_19 = tpu.memref_squeeze %dma_start3A_18 : memref<1x672x128xf32, #tpu.memory_space<hbm>> -> memref<672x128xf32, #tpu.memory_space<hbm>>
      %dma_start3A_20 = arith.constant 0 : i32
      %dma_start3A_21 = tpu.memref_slice %arg10[%mul3A_15, %dma_start3A_20] : memref<10752x128xf32, #tpu.memory_space<vmem_shared>> -> memref<672x128xf32, #tpu.memory_space<vmem_shared>>
      tpu.enqueue_dma source(%dma_start3A_21 : memref<672x128xf32, #tpu.memory_space<vmem_shared>>) target(%dma_start3A_19 : memref<672x128xf32, #tpu.memory_space<hbm>>) target_semaphore(%run_scoped3A : memref<!tpu.dma_semaphore, #tpu.memory_space<semaphore_mem>>)
      %dma_wait3A = arith.constant 0 : i32
      %dma_wait3A_22 = tpu.memref_slice %arg6[%arg0, %mul3A_17, %dma_wait3A] : memref<2x10752x128xf32, #tpu.memory_space<hbm>> -> memref<1x672x128xf32, #tpu.memory_space<hbm>>
      %dma_wait3A_23 = tpu.memref_squeeze %dma_wait3A_22 : memref<1x672x128xf32, #tpu.memory_space<hbm>> -> memref<672x128xf32, #tpu.memory_space<hbm>>
      %dma_wait3A_24 = arith.constant 0 : i32
      %dma_wait3A_25 = tpu.memref_slice %arg10[%mul3A_15, %dma_wait3A_24] : memref<10752x128xf32, #tpu.memory_space<vmem_shared>> -> memref<672x128xf32, #tpu.memory_space<vmem_shared>>
      tpu.wait_dma2 semaphore(%run_scoped3A : memref<!tpu.dma_semaphore, #tpu.memory_space<semaphore_mem>>) src(%dma_wait3A_25 : memref<672x128xf32, #tpu.memory_space<vmem_shared>>) dst(%dma_wait3A_23 : memref<672x128xf32, #tpu.memory_space<hbm>>)
      tpu.yield
    }) : () -> ()
    return
  }
}

#map = affine_map<(d0, d1) -> (0, 0)>
#map1 = affine_map<(d0, d1) -> (0, 0, 0)>
module attributes {stable_mosaic.version = 14 : i64} {
  func.func @_sc_agg(%arg0: i32, %arg1: i32, %arg2: memref<10000x128xf32, #tpu.memory_space<hbm>>, %arg3: memref<32x79x128xi32, #tpu.memory_space<hbm>>, %arg4: memref<32x79x128xi32, #tpu.memory_space<hbm>>, %arg5: memref<672x128xf32, #tpu.memory_space<hbm>>, %arg6: memref<2x10752x128xf32, #tpu.memory_space<hbm>>, %arg7: memref<79x128xi32, #tpu.memory_space<vmem>>, %arg8: memref<79x128xi32, #tpu.memory_space<vmem>>, %arg9: memref<128x128xf32, #tpu.memory_space<vmem>>, %arg10: memref<10752x128xf32, #tpu.memory_space<vmem_shared>>) attributes {dimension_semantics = [#tpu.dimension_semantics<core_parallel>, #tpu.dimension_semantics<subcore_parallel>], iteration_bounds = array<i64: 2, 16>, scalar_prefetch = 0 : i64, scratch_operands = 4 : i64, tpu.core_type = #tpu.core_type<sc_vector_subcore>, window_params = [{transform_indices = #map}, {transform_indices = #map1}, {transform_indices = #map1}, {transform_indices = #map}, {transform_indices = #map1}]} {
    %mul3A = arith.constant 2 : i32
    %mul3A_0 = arith.muli %arg1, %mul3A : i32
    %add3A = arith.addi %mul3A_0, %arg0 : i32
    %mul3A_1 = arith.constant 672 : i32
    %mul3A_2 = arith.muli %arg1, %mul3A_1 : i32
    "tpu.region"() ({
      %run_scoped3A = tpu.sem_alloc : memref<!tpu.dma_semaphore, #tpu.memory_space<semaphore_mem>>
      %dma_start3A = arith.constant 0 : i32
      %dma_start3A_18 = tpu.memref_slice %arg10[%mul3A_2, %dma_start3A] : memref<10752x128xf32, #tpu.memory_space<vmem_shared>> -> memref<672x128xf32, #tpu.memory_space<vmem_shared>>
      tpu.enqueue_dma source(%arg5 : memref<672x128xf32, #tpu.memory_space<hbm>>) target(%dma_start3A_18 : memref<672x128xf32, #tpu.memory_space<vmem_shared>>) target_semaphore(%run_scoped3A : memref<!tpu.dma_semaphore, #tpu.memory_space<semaphore_mem>>)
      %dma_wait3A = arith.constant 0 : i32
      %dma_wait3A_19 = tpu.memref_slice %arg10[%mul3A_2, %dma_wait3A] : memref<10752x128xf32, #tpu.memory_space<vmem_shared>> -> memref<672x128xf32, #tpu.memory_space<vmem_shared>>
      tpu.wait_dma2 semaphore(%run_scoped3A : memref<!tpu.dma_semaphore, #tpu.memory_space<semaphore_mem>>) src(%arg5 : memref<672x128xf32, #tpu.memory_space<hbm>>) dst(%dma_wait3A_19 : memref<672x128xf32, #tpu.memory_space<vmem_shared>>)
      tpu.yield
    }) : () -> ()
    "tpu.region"() ({
      %run_scoped3A = tpu.sem_alloc : memref<!tpu.dma_semaphore, #tpu.memory_space<semaphore_mem>>
      %dma_start3A = arith.constant 0 : i32
      %dma_start3A_18 = arith.constant 0 : i32
      %dma_start3A_19 = tpu.memref_slice %arg3[%add3A, %dma_start3A, %dma_start3A_18] : memref<32x79x128xi32, #tpu.memory_space<hbm>> -> memref<1x79x128xi32, #tpu.memory_space<hbm>>
      %dma_start3A_20 = tpu.memref_squeeze %dma_start3A_19 : memref<1x79x128xi32, #tpu.memory_space<hbm>> -> memref<79x128xi32, #tpu.memory_space<hbm>>
      %dma_start3A_21 = arith.constant 0 : i32
      %dma_start3A_22 = arith.constant 0 : i32
      %dma_start3A_23 = tpu.memref_slice %arg3[%add3A, %dma_start3A_21, %dma_start3A_22] : memref<32x79x128xi32, #tpu.memory_space<hbm>> -> memref<1x79x128xi32, #tpu.memory_space<hbm>>
      %dma_start3A_24 = tpu.memref_squeeze %dma_start3A_23 : memref<1x79x128xi32, #tpu.memory_space<hbm>> -> memref<79x128xi32, #tpu.memory_space<hbm>>
      tpu.enqueue_dma source(%dma_start3A_24 : memref<79x128xi32, #tpu.memory_space<hbm>>) target(%arg7 : memref<79x128xi32, #tpu.memory_space<vmem>>) target_semaphore(%run_scoped3A : memref<!tpu.dma_semaphore, #tpu.memory_space<semaphore_mem>>)
      %dma_wait3A = arith.constant 0 : i32
      %dma_wait3A_25 = arith.constant 0 : i32
      %dma_wait3A_26 = tpu.memref_slice %arg3[%add3A, %dma_wait3A, %dma_wait3A_25] : memref<32x79x128xi32, #tpu.memory_space<hbm>> -> memref<1x79x128xi32, #tpu.memory_space<hbm>>
      %dma_wait3A_27 = tpu.memref_squeeze %dma_wait3A_26 : memref<1x79x128xi32, #tpu.memory_space<hbm>> -> memref<79x128xi32, #tpu.memory_space<hbm>>
      %dma_wait3A_28 = arith.constant 0 : i32
      %dma_wait3A_29 = arith.constant 0 : i32
      %dma_wait3A_30 = tpu.memref_slice %arg3[%add3A, %dma_wait3A_28, %dma_wait3A_29] : memref<32x79x128xi32, #tpu.memory_space<hbm>> -> memref<1x79x128xi32, #tpu.memory_space<hbm>>
      %dma_wait3A_31 = tpu.memref_squeeze %dma_wait3A_30 : memref<1x79x128xi32, #tpu.memory_space<hbm>> -> memref<79x128xi32, #tpu.memory_space<hbm>>
      tpu.wait_dma2 semaphore(%run_scoped3A : memref<!tpu.dma_semaphore, #tpu.memory_space<semaphore_mem>>) src(%dma_wait3A_31 : memref<79x128xi32, #tpu.memory_space<hbm>>) dst(%arg7 : memref<79x128xi32, #tpu.memory_space<vmem>>)
      tpu.yield
    }) : () -> ()
    "tpu.region"() ({
      %run_scoped3A = tpu.sem_alloc : memref<!tpu.dma_semaphore, #tpu.memory_space<semaphore_mem>>
      %dma_start3A = arith.constant 0 : i32
      %dma_start3A_18 = arith.constant 0 : i32
      %dma_start3A_19 = tpu.memref_slice %arg4[%add3A, %dma_start3A, %dma_start3A_18] : memref<32x79x128xi32, #tpu.memory_space<hbm>> -> memref<1x79x128xi32, #tpu.memory_space<hbm>>
      %dma_start3A_20 = tpu.memref_squeeze %dma_start3A_19 : memref<1x79x128xi32, #tpu.memory_space<hbm>> -> memref<79x128xi32, #tpu.memory_space<hbm>>
      %dma_start3A_21 = arith.constant 0 : i32
      %dma_start3A_22 = arith.constant 0 : i32
      %dma_start3A_23 = tpu.memref_slice %arg4[%add3A, %dma_start3A_21, %dma_start3A_22] : memref<32x79x128xi32, #tpu.memory_space<hbm>> -> memref<1x79x128xi32, #tpu.memory_space<hbm>>
      %dma_start3A_24 = tpu.memref_squeeze %dma_start3A_23 : memref<1x79x128xi32, #tpu.memory_space<hbm>> -> memref<79x128xi32, #tpu.memory_space<hbm>>
      tpu.enqueue_dma source(%dma_start3A_24 : memref<79x128xi32, #tpu.memory_space<hbm>>) target(%arg8 : memref<79x128xi32, #tpu.memory_space<vmem>>) target_semaphore(%run_scoped3A : memref<!tpu.dma_semaphore, #tpu.memory_space<semaphore_mem>>)
      %dma_wait3A = arith.constant 0 : i32
      %dma_wait3A_25 = arith.constant 0 : i32
      %dma_wait3A_26 = tpu.memref_slice %arg4[%add3A, %dma_wait3A, %dma_wait3A_25] : memref<32x79x128xi32, #tpu.memory_space<hbm>> -> memref<1x79x128xi32, #tpu.memory_space<hbm>>
      %dma_wait3A_27 = tpu.memref_squeeze %dma_wait3A_26 : memref<1x79x128xi32, #tpu.memory_space<hbm>> -> memref<79x128xi32, #tpu.memory_space<hbm>>
      %dma_wait3A_28 = arith.constant 0 : i32
      %dma_wait3A_29 = arith.constant 0 : i32
      %dma_wait3A_30 = tpu.memref_slice %arg4[%add3A, %dma_wait3A_28, %dma_wait3A_29] : memref<32x79x128xi32, #tpu.memory_space<hbm>> -> memref<1x79x128xi32, #tpu.memory_space<hbm>>
      %dma_wait3A_31 = tpu.memref_squeeze %dma_wait3A_30 : memref<1x79x128xi32, #tpu.memory_space<hbm>> -> memref<79x128xi32, #tpu.memory_space<hbm>>
      tpu.wait_dma2 semaphore(%run_scoped3A : memref<!tpu.dma_semaphore, #tpu.memory_space<semaphore_mem>>) src(%dma_wait3A_31 : memref<79x128xi32, #tpu.memory_space<hbm>>) dst(%arg8 : memref<79x128xi32, #tpu.memory_space<vmem>>)
      tpu.yield
    }) : () -> ()
    %barrier3A = arith.constant 0 : index
    tpu.barrier barrier_id(%barrier3A)
    %scan3A = arith.constant 0 : i32
    %scan3A_3 = arith.constant 0 : i32
    %scan3A_4 = arith.constant 79 : i32
    %scan3A_5 = arith.addi %scan3A_3, %scan3A_4 : i32
    %scan3A_6 = arith.constant 1 : i32
    scf.for %scan3A_18 = %scan3A_3 to %scan3A_5 step %scan3A_6  : i32 {
      "tpu.region"() ({
        %run_scoped3A = tpu.sem_alloc : memref<!tpu.dma_semaphore, #tpu.memory_space<semaphore_mem>>
        %dma_start3A = arith.constant 0 : i32
        %dma_start3A_19 = tpu.memref_slice %arg7[%scan3A_18, %dma_start3A] : memref<79x128xi32, #tpu.memory_space<vmem>> -> memref<1x128xi32, #tpu.memory_space<vmem>>
        %dma_start3A_20 = tpu.memref_squeeze %dma_start3A_19 : memref<1x128xi32, #tpu.memory_space<vmem>> -> memref<128xi32, #tpu.memory_space<vmem>>
        %dma_start3A_21 = arith.constant 0 : i32
        %dma_start3A_22 = arith.constant 0 : i32
        %dma_start3A_23 = tpu.memref_slice %arg2[%dma_start3A_21, %dma_start3A_22] : memref<10000x128xf32, #tpu.memory_space<hbm>> -> memref<10000x128xf32, #tpu.memory_space<hbm>>
        tpu.enqueue_indirect_dma source(%dma_start3A_23 : memref<10000x128xf32, #tpu.memory_space<hbm>>) target(%arg9 : memref<128x128xf32, #tpu.memory_space<vmem>>) offsets(%dma_start3A_20 : memref<128xi32, #tpu.memory_space<vmem>>) semaphore(%run_scoped3A : memref<!tpu.dma_semaphore, #tpu.memory_space<semaphore_mem>>)
        %dma_wait3A = arith.constant 0 : i32
        %dma_wait3A_24 = tpu.memref_slice %arg7[%scan3A_18, %dma_wait3A] : memref<79x128xi32, #tpu.memory_space<vmem>> -> memref<1x128xi32, #tpu.memory_space<vmem>>
        %dma_wait3A_25 = tpu.memref_squeeze %dma_wait3A_24 : memref<1x128xi32, #tpu.memory_space<vmem>> -> memref<128xi32, #tpu.memory_space<vmem>>
        %dma_wait3A_26 = arith.constant 0 : i32
        %dma_wait3A_27 = arith.constant 0 : i32
        %dma_wait3A_28 = tpu.memref_slice %arg2[%dma_wait3A_26, %dma_wait3A_27] : memref<10000x128xf32, #tpu.memory_space<hbm>> -> memref<10000x128xf32, #tpu.memory_space<hbm>>
        tpu.wait_indirect_dma semaphore(%run_scoped3A : memref<!tpu.dma_semaphore, #tpu.memory_space<semaphore_mem>>) src(%dma_wait3A_28 : memref<10000x128xf32, #tpu.memory_space<hbm>>) dst(%arg9 : memref<128x128xf32, #tpu.memory_space<vmem>>)
        tpu.yield
      }) : () -> ()
      "tpu.region"() ({
        %run_scoped3A = tpu.sem_alloc : memref<!tpu.dma_semaphore, #tpu.memory_space<semaphore_mem>>
        %dma_start3A = arith.constant 0 : i32
        %dma_start3A_19 = tpu.memref_slice %arg8[%scan3A_18, %dma_start3A] : memref<79x128xi32, #tpu.memory_space<vmem>> -> memref<1x128xi32, #tpu.memory_space<vmem>>
        %dma_start3A_20 = tpu.memref_squeeze %dma_start3A_19 : memref<1x128xi32, #tpu.memory_space<vmem>> -> memref<128xi32, #tpu.memory_space<vmem>>
        %dma_start3A_21 = arith.constant 0 : i32
        %dma_start3A_22 = arith.constant 0 : i32
        %dma_start3A_23 = tpu.memref_slice %arg10[%dma_start3A_21, %dma_start3A_22] : memref<10752x128xf32, #tpu.memory_space<vmem_shared>> -> memref<10752x128xf32, #tpu.memory_space<vmem_shared>>
        tpu.enqueue_indirect_dma source(%arg9 : memref<128x128xf32, #tpu.memory_space<vmem>>) target(%dma_start3A_23 : memref<10752x128xf32, #tpu.memory_space<vmem_shared>>) offsets(%dma_start3A_20 : memref<128xi32, #tpu.memory_space<vmem>>) semaphore(%run_scoped3A : memref<!tpu.dma_semaphore, #tpu.memory_space<semaphore_mem>>) {add = true}
        %dma_wait3A = arith.constant 0 : i32
        %dma_wait3A_24 = tpu.memref_slice %arg8[%scan3A_18, %dma_wait3A] : memref<79x128xi32, #tpu.memory_space<vmem>> -> memref<1x128xi32, #tpu.memory_space<vmem>>
        %dma_wait3A_25 = tpu.memref_squeeze %dma_wait3A_24 : memref<1x128xi32, #tpu.memory_space<vmem>> -> memref<128xi32, #tpu.memory_space<vmem>>
        %dma_wait3A_26 = arith.constant 0 : i32
        %dma_wait3A_27 = arith.constant 0 : i32
        %dma_wait3A_28 = tpu.memref_slice %arg10[%dma_wait3A_26, %dma_wait3A_27] : memref<10752x128xf32, #tpu.memory_space<vmem_shared>> -> memref<10752x128xf32, #tpu.memory_space<vmem_shared>>
        tpu.wait_indirect_dma semaphore(%run_scoped3A : memref<!tpu.dma_semaphore, #tpu.memory_space<semaphore_mem>>) src(%arg9 : memref<128x128xf32, #tpu.memory_space<vmem>>) dst(%dma_wait3A_28 : memref<10752x128xf32, #tpu.memory_space<vmem_shared>>)
        tpu.yield
      }) : () -> ()
    }
    %scan3A_7 = arith.constant 79 : i32
    %barrier3A_8 = arith.constant 0 : index
    tpu.barrier barrier_id(%barrier3A_8)
    %mul3A_9 = arith.constant 672 : i32
    %mul3A_10 = arith.muli %arg1, %mul3A_9 : i32
    %mul3A_11 = arith.constant 672 : i32
    %mul3A_12 = arith.muli %arg1, %mul3A_11 : i32
    "tpu.region"() ({
      %run_scoped3A = tpu.sem_alloc : memref<!tpu.dma_semaphore, #tpu.memory_space<semaphore_mem>>
      %dma_start3A = arith.constant 0 : i32
      %dma_start3A_18 = tpu.memref_slice %arg6[%arg0, %mul3A_12, %dma_start3A] : memref<2x10752x128xf32, #tpu.memory_space<hbm>> -> memref<1x672x128xf32, #tpu.memory_space<hbm>>
      %dma_start3A_19 = tpu.memref_squeeze %dma_start3A_18 : memref<1x672x128xf32, #tpu.memory_space<hbm>> -> memref<672x128xf32, #tpu.memory_space<hbm>>
      %dma_start3A_20 = arith.constant 0 : i32
      %dma_start3A_21 = tpu.memref_slice %arg10[%mul3A_10, %dma_start3A_20] : memref<10752x128xf32, #tpu.memory_space<vmem_shared>> -> memref<672x128xf32, #tpu.memory_space<vmem_shared>>
      tpu.enqueue_dma source(%dma_start3A_21 : memref<672x128xf32, #tpu.memory_space<vmem_shared>>) target(%dma_start3A_19 : memref<672x128xf32, #tpu.memory_space<hbm>>) target_semaphore(%run_scoped3A : memref<!tpu.dma_semaphore, #tpu.memory_space<semaphore_mem>>)
      %dma_wait3A = arith.constant 0 : i32
      %dma_wait3A_22 = tpu.memref_slice %arg6[%arg0, %mul3A_12, %dma_wait3A] : memref<2x10752x128xf32, #tpu.memory_space<hbm>> -> memref<1x672x128xf32, #tpu.memory_space<hbm>>
      %dma_wait3A_23 = tpu.memref_squeeze %dma_wait3A_22 : memref<1x672x128xf32, #tpu.memory_space<hbm>> -> memref<672x128xf32, #tpu.memory_space<hbm>>
      %dma_wait3A_24 = arith.constant 0 : i32
      %dma_wait3A_25 = tpu.memref_slice %arg10[%mul3A_10, %dma_wait3A_24] : memref<10752x128xf32, #tpu.memory_space<vmem_shared>> -> memref<672x128xf32, #tpu.memory_space<vmem_shared>>
      tpu.wait_dma2 semaphore(%run_scoped3A : memref<!tpu.dma_semaphore, #tpu.memory_space<semaphore_mem>>) src(%dma_wait3A_25 : memref<672x128xf32, #tpu.memory_space<vmem_shared>>) dst(%dma_wait3A_23 : memref<672x128xf32, #tpu.memory_space<hbm>>)
      tpu.yield
    }) : () -> ()
    %barrier3A_13 = arith.constant 0 : index
    tpu.barrier barrier_id(%barrier3A_13)
    %mul3A_14 = arith.constant 672 : i32
    %mul3A_15 = arith.muli %arg1, %mul3A_14 : i32
    %mul3A_16 = arith.constant 672 : i32
    %mul3A_17 = arith.muli %arg1, %mul3A_16 : i32
    "tpu.region"() ({
      %run_scoped3A = tpu.sem_alloc : memref<!tpu.dma_semaphore, #tpu.memory_space<semaphore_mem>>
      %dma_start3A = arith.constant 0 : i32
      %dma_start3A_18 = tpu.memref_slice %arg6[%arg0, %mul3A_17, %dma_start3A] : memref<2x10752x128xf32, #tpu.memory_space<hbm>> -> memref<1x672x128xf32, #tpu.memory_space<hbm>>
      %dma_start3A_19 = tpu.memref_squeeze %dma_start3A_18 : memref<1x672x128xf32, #tpu.memory_space<hbm>> -> memref<672x128xf32, #tpu.memory_space<hbm>>
      %dma_start3A_20 = arith.constant 0 : i32
      %dma_start3A_21 = tpu.memref_slice %arg10[%mul3A_15, %dma_start3A_20] : memref<10752x128xf32, #tpu.memory_space<vmem_shared>> -> memref<672x128xf32, #tpu.memory_space<vmem_shared>>
      tpu.enqueue_dma source(%dma_start3A_21 : memref<672x128xf32, #tpu.memory_space<vmem_shared>>) target(%dma_start3A_19 : memref<672x128xf32, #tpu.memory_space<hbm>>) target_semaphore(%run_scoped3A : memref<!tpu.dma_semaphore, #tpu.memory_space<semaphore_mem>>)
      %dma_wait3A = arith.constant 0 : i32
      %dma_wait3A_22 = tpu.memref_slice %arg6[%arg0, %mul3A_17, %dma_wait3A] : memref<2x10752x128xf32, #tpu.memory_space<hbm>> -> memref<1x672x128xf32, #tpu.memory_space<hbm>>
      %dma_wait3A_23 = tpu.memref_squeeze %dma_wait3A_22 : memref<1x672x128xf32, #tpu.memory_space<hbm>> -> memref<672x128xf32, #tpu.memory_space<hbm>>
      %dma_wait3A_24 = arith.constant 0 : i32
      %dma_wait3A_25 = tpu.memref_slice %arg10[%mul3A_15, %dma_wait3A_24] : memref<10752x128xf32, #tpu.memory_space<vmem_shared>> -> memref<672x128xf32, #tpu.memory_space<vmem_shared>>
      tpu.wait_dma2 semaphore(%run_scoped3A : memref<!tpu.dma_semaphore, #tpu.memory_space<semaphore_mem>>) src(%dma_wait3A_25 : memref<672x128xf32, #tpu.memory_space<vmem_shared>>) dst(%dma_wait3A_23 : memref<672x128xf32, #tpu.memory_space<hbm>>)
      tpu.yield
    }) : () -> ()
    return
  }
}

module attributes {stable_mosaic.version = 14 : i64} {
  func.func @_mid1_body(%arg0: memref<10000x128xf32, #tpu.memory_space<vmem>>, %arg1: memref<2x10752x128xf32, #tpu.memory_space<vmem>>, %arg2: memref<128x32xf32, #tpu.memory_space<vmem>>, %arg3: memref<1x32xf32, #tpu.memory_space<vmem>>, %arg4: memref<32x32xf32, #tpu.memory_space<vmem>>, %arg5: memref<1x32xf32, #tpu.memory_space<vmem>>, %arg6: memref<1x32xf32, #tpu.memory_space<vmem>>, %arg7: memref<1x32xf32, #tpu.memory_space<vmem>>, %arg8: memref<10000x128xf32, #tpu.memory_space<vmem>>) attributes {dimension_semantics = [], scalar_prefetch = 0 : i64, scratch_operands = 0 : i64, tpu.core_type = #tpu.core_type<tc>} {
    %get3A = arith.constant 0 : index
    %get3A_0 = arith.constant 0 : index
    %get3A_1 = vector.load %arg0[%get3A, %get3A_0] : memref<10000x128xf32, #tpu.memory_space<vmem>>, vector<10000x128xf32>
    %get3A_2 = arith.constant 0 : index
    %get3A_3 = arith.constant 0 : index
    %get3A_4 = arith.constant 0 : index
    %get3A_5 = vector.load %arg1[%get3A_2, %get3A_3, %get3A_4] : memref<2x10752x128xf32, #tpu.memory_space<vmem>>, vector<1x10000x128xf32>
    %get3A_6 = vector.shape_cast %get3A_5 : vector<1x10000x128xf32> to vector<10000x128xf32>
    %add3A = arith.addf %get3A_1, %get3A_6 : vector<10000x128xf32>
    %get3A_7 = arith.constant 1 : index
    %get3A_8 = arith.constant 0 : index
    %get3A_9 = arith.constant 0 : index
    %get3A_10 = vector.load %arg1[%get3A_7, %get3A_8, %get3A_9] : memref<2x10752x128xf32, #tpu.memory_space<vmem>>, vector<1x10000x128xf32>
    %get3A_11 = vector.shape_cast %get3A_10 : vector<1x10000x128xf32> to vector<10000x128xf32>
    %add3A_12 = arith.addf %add3A, %get3A_11 : vector<10000x128xf32>
    %get3A_13 = arith.constant 0 : index
    %get3A_14 = arith.constant 0 : index
    %get3A_15 = vector.load %arg2[%get3A_13, %get3A_14] : memref<128x32xf32, #tpu.memory_space<vmem>>, vector<128x32xf32>
    %get3A_16 = arith.constant 0 : index
    %get3A_17 = arith.constant 0 : index
    %get3A_18 = vector.load %arg3[%get3A_16, %get3A_17] : memref<1x32xf32, #tpu.memory_space<vmem>>, vector<1x32xf32>
    %get3A_19 = arith.constant 0 : index
    %get3A_20 = arith.constant 0 : index
    %get3A_21 = vector.load %arg4[%get3A_19, %get3A_20] : memref<32x32xf32, #tpu.memory_space<vmem>>, vector<32x32xf32>
    %get3A_22 = arith.constant 0 : index
    %get3A_23 = arith.constant 0 : index
    %get3A_24 = vector.load %arg5[%get3A_22, %get3A_23] : memref<1x32xf32, #tpu.memory_space<vmem>>, vector<1x32xf32>
    %get3A_25 = arith.constant 0 : index
    %get3A_26 = arith.constant 0 : index
    %get3A_27 = vector.load %arg6[%get3A_25, %get3A_26] : memref<1x32xf32, #tpu.memory_space<vmem>>, vector<1x32xf32>
    %get3A_28 = arith.constant 0 : index
    %get3A_29 = arith.constant 0 : index
    %get3A_30 = vector.load %arg7[%get3A_28, %get3A_29] : memref<1x32xf32, #tpu.memory_space<vmem>>, vector<1x32xf32>
    %dot_general3A = arith.constant dense<0.000000e+00> : vector<10000x32xf32>
    %dot_general3A_31 = tpu.matmul %add3A_12, %get3A_15, %dot_general3A {dimension_numbers = #tpu.dot_dimension_numbers<[1], [0], [0], [1], [0, 0, 1, 1], [], []>, transpose_lhs_hint = false} : vector<10000x128xf32>, vector<128x32xf32>, vector<10000x32xf32> -> vector<10000x32xf32>
    %add3A_32 = vector.broadcast %get3A_18 : vector<1x32xf32> to vector<10000x32xf32>
    %add3A_33 = arith.addf %dot_general3A_31, %add3A_32 : vector<10000x32xf32>
    %max3A = arith.constant 0.000000e+00 : f32
    %max3A_34 = vector.broadcast %max3A : f32 to vector<10000x32xf32>
    %max3A_35 = arith.maximumf %add3A_33, %max3A_34 : vector<10000x32xf32>
    %dot_general3A_36 = arith.constant dense<0.000000e+00> : vector<10000x32xf32>
    %dot_general3A_37 = tpu.matmul %max3A_35, %get3A_21, %dot_general3A_36 {dimension_numbers = #tpu.dot_dimension_numbers<[1], [0], [0], [1], [0, 0, 1, 1], [], []>, transpose_lhs_hint = false} : vector<10000x32xf32>, vector<32x32xf32>, vector<10000x32xf32> -> vector<10000x32xf32>
    %add3A_38 = vector.broadcast %get3A_24 : vector<1x32xf32> to vector<10000x32xf32>
    %add3A_39 = arith.addf %dot_general3A_37, %add3A_38 : vector<10000x32xf32>
    %max3A_40 = arith.constant 0.000000e+00 : f32
    %max3A_41 = vector.broadcast %max3A_40 : f32 to vector<10000x32xf32>
    %max3A_42 = arith.maximumf %add3A_39, %max3A_41 : vector<10000x32xf32>
    %reduce_sum3A = arith.constant dense<0.000000e+00> : vector<32xf32>
    %reduce_sum3A_43 = vector.multi_reduction <add>, %max3A_42, %reduce_sum3A [0] : vector<10000x32xf32> to vector<32xf32>
    %broadcast_in_dim3A = vector.shape_cast %reduce_sum3A_43 : vector<32xf32> to vector<1x32xf32>
    %div3A = arith.constant 1.000000e+04 : f32
    %div3A_44 = vector.broadcast %div3A : f32 to vector<1x32xf32>
    %div3A_45 = arith.divf %broadcast_in_dim3A, %div3A_44 : vector<1x32xf32>
    %sub3A = vector.broadcast %div3A_45 : vector<1x32xf32> to vector<10000x32xf32>
    %sub3A_46 = arith.subf %max3A_42, %sub3A : vector<10000x32xf32>
    %mul3A = arith.mulf %sub3A_46, %sub3A_46 : vector<10000x32xf32>
    %reduce_sum3A_47 = arith.constant dense<0.000000e+00> : vector<32xf32>
    %reduce_sum3A_48 = vector.multi_reduction <add>, %mul3A, %reduce_sum3A_47 [0] : vector<10000x32xf32> to vector<32xf32>
    %broadcast_in_dim3A_49 = vector.shape_cast %reduce_sum3A_48 : vector<32xf32> to vector<1x32xf32>
    %div3A_50 = arith.constant 1.000000e+04 : f32
    %div3A_51 = vector.broadcast %div3A_50 : f32 to vector<1x32xf32>
    %div3A_52 = arith.divf %broadcast_in_dim3A_49, %div3A_51 : vector<1x32xf32>
    %add3A_53 = arith.constant 9.99999974E-6 : f32
    %add3A_54 = vector.broadcast %add3A_53 : f32 to vector<1x32xf32>
    %add3A_55 = arith.addf %div3A_52, %add3A_54 : vector<1x32xf32>
    %sqrt3A = math.sqrt %add3A_55 : vector<1x32xf32>
    %div3A_56 = vector.broadcast %sqrt3A : vector<1x32xf32> to vector<10000x32xf32>
    %div3A_57 = arith.divf %sub3A_46, %div3A_56 : vector<10000x32xf32>
    %mul3A_58 = vector.broadcast %get3A_27 : vector<1x32xf32> to vector<10000x32xf32>
    %mul3A_59 = arith.mulf %div3A_57, %mul3A_58 : vector<10000x32xf32>
    %add3A_60 = vector.broadcast %get3A_30 : vector<1x32xf32> to vector<10000x32xf32>
    %add3A_61 = arith.addf %mul3A_59, %add3A_60 : vector<10000x32xf32>
    %broadcast_in_dim3A_62 = arith.constant 0.000000e+00 : f32
    %broadcast_in_dim3A_63 = vector.broadcast %broadcast_in_dim3A_62 : f32 to vector<10000x96xf32>
    %concatenate3A = tpu.concatenate %add3A_61, %broadcast_in_dim3A_63 in 1 : vector<10000x32xf32>, vector<10000x96xf32> -> vector<10000x128xf32>
    %swap3A = arith.constant 0 : index
    %swap3A_64 = arith.constant 0 : index
    %swap3A_65 = vector.load %arg8[%swap3A, %swap3A_64] : memref<10000x128xf32, #tpu.memory_space<vmem>>, vector<10000x128xf32>
    tpu.vector_store %arg8[%swap3A, %swap3A_64], %concatenate3A {strides = array<i32>} : memref<10000x128xf32, #tpu.memory_space<vmem>>, vector<10000x128xf32>,
    return
  }
}

module attributes {stable_mosaic.version = 14 : i64} {
  func.func @_mid2_body(%arg0: memref<10000x128xf32, #tpu.memory_space<vmem>>, %arg1: memref<2x10752x128xf32, #tpu.memory_space<vmem>>, %arg2: memref<32x32xf32, #tpu.memory_space<vmem>>, %arg3: memref<1x32xf32, #tpu.memory_space<vmem>>, %arg4: memref<32x32xf32, #tpu.memory_space<vmem>>, %arg5: memref<1x32xf32, #tpu.memory_space<vmem>>, %arg6: memref<1x32xf32, #tpu.memory_space<vmem>>, %arg7: memref<1x32xf32, #tpu.memory_space<vmem>>, %arg8: memref<10000x128xf32, #tpu.memory_space<vmem>>) attributes {dimension_semantics = [], scalar_prefetch = 0 : i64, scratch_operands = 0 : i64, tpu.core_type = #tpu.core_type<tc>} {
    %get3A = arith.constant 0 : index
    %get3A_0 = arith.constant 0 : index
    %get3A_1 = vector.load %arg0[%get3A, %get3A_0] : memref<10000x128xf32, #tpu.memory_space<vmem>>, vector<10000x32xf32>
    %get3A_2 = arith.constant 0 : index
    %get3A_3 = arith.constant 0 : index
    %get3A_4 = arith.constant 0 : index
    %get3A_5 = vector.load %arg1[%get3A_2, %get3A_3, %get3A_4] : memref<2x10752x128xf32, #tpu.memory_space<vmem>>, vector<1x10000x32xf32>
    %get3A_6 = vector.shape_cast %get3A_5 : vector<1x10000x32xf32> to vector<10000x32xf32>
    %add3A = arith.addf %get3A_1, %get3A_6 : vector<10000x32xf32>
    %get3A_7 = arith.constant 1 : index
    %get3A_8 = arith.constant 0 : index
    %get3A_9 = arith.constant 0 : index
    %get3A_10 = vector.load %arg1[%get3A_7, %get3A_8, %get3A_9] : memref<2x10752x128xf32, #tpu.memory_space<vmem>>, vector<1x10000x32xf32>
    %get3A_11 = vector.shape_cast %get3A_10 : vector<1x10000x32xf32> to vector<10000x32xf32>
    %add3A_12 = arith.addf %add3A, %get3A_11 : vector<10000x32xf32>
    %get3A_13 = arith.constant 0 : index
    %get3A_14 = arith.constant 0 : index
    %get3A_15 = vector.load %arg2[%get3A_13, %get3A_14] : memref<32x32xf32, #tpu.memory_space<vmem>>, vector<32x32xf32>
    %get3A_16 = arith.constant 0 : index
    %get3A_17 = arith.constant 0 : index
    %get3A_18 = vector.load %arg3[%get3A_16, %get3A_17] : memref<1x32xf32, #tpu.memory_space<vmem>>, vector<1x32xf32>
    %get3A_19 = arith.constant 0 : index
    %get3A_20 = arith.constant 0 : index
    %get3A_21 = vector.load %arg4[%get3A_19, %get3A_20] : memref<32x32xf32, #tpu.memory_space<vmem>>, vector<32x32xf32>
    %get3A_22 = arith.constant 0 : index
    %get3A_23 = arith.constant 0 : index
    %get3A_24 = vector.load %arg5[%get3A_22, %get3A_23] : memref<1x32xf32, #tpu.memory_space<vmem>>, vector<1x32xf32>
    %get3A_25 = arith.constant 0 : index
    %get3A_26 = arith.constant 0 : index
    %get3A_27 = vector.load %arg6[%get3A_25, %get3A_26] : memref<1x32xf32, #tpu.memory_space<vmem>>, vector<1x32xf32>
    %get3A_28 = arith.constant 0 : index
    %get3A_29 = arith.constant 0 : index
    %get3A_30 = vector.load %arg7[%get3A_28, %get3A_29] : memref<1x32xf32, #tpu.memory_space<vmem>>, vector<1x32xf32>
    %dot_general3A = arith.constant dense<0.000000e+00> : vector<10000x32xf32>
    %dot_general3A_31 = tpu.matmul %add3A_12, %get3A_15, %dot_general3A {dimension_numbers = #tpu.dot_dimension_numbers<[1], [0], [0], [1], [0, 0, 1, 1], [], []>, transpose_lhs_hint = false} : vector<10000x32xf32>, vector<32x32xf32>, vector<10000x32xf32> -> vector<10000x32xf32>
    %add3A_32 = vector.broadcast %get3A_18 : vector<1x32xf32> to vector<10000x32xf32>
    %add3A_33 = arith.addf %dot_general3A_31, %add3A_32 : vector<10000x32xf32>
    %max3A = arith.constant 0.000000e+00 : f32
    %max3A_34 = vector.broadcast %max3A : f32 to vector<10000x32xf32>
    %max3A_35 = arith.maximumf %add3A_33, %max3A_34 : vector<10000x32xf32>
    %dot_general3A_36 = arith.constant dense<0.000000e+00> : vector<10000x32xf32>
    %dot_general3A_37 = tpu.matmul %max3A_35, %get3A_21, %dot_general3A_36 {dimension_numbers = #tpu.dot_dimension_numbers<[1], [0], [0], [1], [0, 0, 1, 1], [], []>, transpose_lhs_hint = false} : vector<10000x32xf32>, vector<32x32xf32>, vector<10000x32xf32> -> vector<10000x32xf32>
    %add3A_38 = vector.broadcast %get3A_24 : vector<1x32xf32> to vector<10000x32xf32>
    %add3A_39 = arith.addf %dot_general3A_37, %add3A_38 : vector<10000x32xf32>
    %max3A_40 = arith.constant 0.000000e+00 : f32
    %max3A_41 = vector.broadcast %max3A_40 : f32 to vector<10000x32xf32>
    %max3A_42 = arith.maximumf %add3A_39, %max3A_41 : vector<10000x32xf32>
    %reduce_sum3A = arith.constant dense<0.000000e+00> : vector<32xf32>
    %reduce_sum3A_43 = vector.multi_reduction <add>, %max3A_42, %reduce_sum3A [0] : vector<10000x32xf32> to vector<32xf32>
    %broadcast_in_dim3A = vector.shape_cast %reduce_sum3A_43 : vector<32xf32> to vector<1x32xf32>
    %div3A = arith.constant 1.000000e+04 : f32
    %div3A_44 = vector.broadcast %div3A : f32 to vector<1x32xf32>
    %div3A_45 = arith.divf %broadcast_in_dim3A, %div3A_44 : vector<1x32xf32>
    %sub3A = vector.broadcast %div3A_45 : vector<1x32xf32> to vector<10000x32xf32>
    %sub3A_46 = arith.subf %max3A_42, %sub3A : vector<10000x32xf32>
    %mul3A = arith.mulf %sub3A_46, %sub3A_46 : vector<10000x32xf32>
    %reduce_sum3A_47 = arith.constant dense<0.000000e+00> : vector<32xf32>
    %reduce_sum3A_48 = vector.multi_reduction <add>, %mul3A, %reduce_sum3A_47 [0] : vector<10000x32xf32> to vector<32xf32>
    %broadcast_in_dim3A_49 = vector.shape_cast %reduce_sum3A_48 : vector<32xf32> to vector<1x32xf32>
    %div3A_50 = arith.constant 1.000000e+04 : f32
    %div3A_51 = vector.broadcast %div3A_50 : f32 to vector<1x32xf32>
    %div3A_52 = arith.divf %broadcast_in_dim3A_49, %div3A_51 : vector<1x32xf32>
    %add3A_53 = arith.constant 9.99999974E-6 : f32
    %add3A_54 = vector.broadcast %add3A_53 : f32 to vector<1x32xf32>
    %add3A_55 = arith.addf %div3A_52, %add3A_54 : vector<1x32xf32>
    %sqrt3A = math.sqrt %add3A_55 : vector<1x32xf32>
    %div3A_56 = vector.broadcast %sqrt3A : vector<1x32xf32> to vector<10000x32xf32>
    %div3A_57 = arith.divf %sub3A_46, %div3A_56 : vector<10000x32xf32>
    %mul3A_58 = vector.broadcast %get3A_27 : vector<1x32xf32> to vector<10000x32xf32>
    %mul3A_59 = arith.mulf %div3A_57, %mul3A_58 : vector<10000x32xf32>
    %add3A_60 = vector.broadcast %get3A_30 : vector<1x32xf32> to vector<10000x32xf32>
    %add3A_61 = arith.addf %mul3A_59, %add3A_60 : vector<10000x32xf32>
    %broadcast_in_dim3A_62 = arith.constant 0.000000e+00 : f32
    %broadcast_in_dim3A_63 = vector.broadcast %broadcast_in_dim3A_62 : f32 to vector<10000x96xf32>
    %concatenate3A = tpu.concatenate %add3A_61, %broadcast_in_dim3A_63 in 1 : vector<10000x32xf32>, vector<10000x96xf32> -> vector<10000x128xf32>
    %swap3A = arith.constant 0 : index
    %swap3A_64 = arith.constant 0 : index
    %swap3A_65 = vector.load %arg8[%swap3A, %swap3A_64] : memref<10000x128xf32, #tpu.memory_space<vmem>>, vector<10000x128xf32>
    tpu.vector_store %arg8[%swap3A, %swap3A_64], %concatenate3A {strides = array<i32>} : memref<10000x128xf32, #tpu.memory_space<vmem>>, vector<10000x128xf32>,
    return
  }
}

module attributes {stable_mosaic.version = 14 : i64} {
  func.func @_final_body(%arg0: memref<10000x128xf32, #tpu.memory_space<vmem>>, %arg1: memref<2x10752x128xf32, #tpu.memory_space<vmem>>, %arg2: memref<32x32xf32, #tpu.memory_space<vmem>>, %arg3: memref<1x32xf32, #tpu.memory_space<vmem>>, %arg4: memref<32x32xf32, #tpu.memory_space<vmem>>, %arg5: memref<1x32xf32, #tpu.memory_space<vmem>>, %arg6: memref<1x32xf32, #tpu.memory_space<vmem>>, %arg7: memref<1x32xf32, #tpu.memory_space<vmem>>, %arg8: memref<1x10000xf32, #tpu.memory_space<vmem>>, %arg9: memref<32x128xf32, #tpu.memory_space<vmem>>, %arg10: memref<1x128xf32, #tpu.memory_space<vmem>>, %arg11: memref<128x128xf32, #tpu.memory_space<vmem>>) attributes {dimension_semantics = [], scalar_prefetch = 0 : i64, scratch_operands = 0 : i64, tpu.core_type = #tpu.core_type<tc>} {
    %get3A = arith.constant 0 : index
    %get3A_0 = arith.constant 0 : index
    %get3A_1 = vector.load %arg0[%get3A, %get3A_0] : memref<10000x128xf32, #tpu.memory_space<vmem>>, vector<10000x32xf32>
    %get3A_2 = arith.constant 0 : index
    %get3A_3 = arith.constant 0 : index
    %get3A_4 = arith.constant 0 : index
    %get3A_5 = vector.load %arg1[%get3A_2, %get3A_3, %get3A_4] : memref<2x10752x128xf32, #tpu.memory_space<vmem>>, vector<1x10000x32xf32>
    %get3A_6 = vector.shape_cast %get3A_5 : vector<1x10000x32xf32> to vector<10000x32xf32>
    %add3A = arith.addf %get3A_1, %get3A_6 : vector<10000x32xf32>
    %get3A_7 = arith.constant 1 : index
    %get3A_8 = arith.constant 0 : index
    %get3A_9 = arith.constant 0 : index
    %get3A_10 = vector.load %arg1[%get3A_7, %get3A_8, %get3A_9] : memref<2x10752x128xf32, #tpu.memory_space<vmem>>, vector<1x10000x32xf32>
    %get3A_11 = vector.shape_cast %get3A_10 : vector<1x10000x32xf32> to vector<10000x32xf32>
    %add3A_12 = arith.addf %add3A, %get3A_11 : vector<10000x32xf32>
    %get3A_13 = arith.constant 0 : index
    %get3A_14 = arith.constant 0 : index
    %get3A_15 = vector.load %arg2[%get3A_13, %get3A_14] : memref<32x32xf32, #tpu.memory_space<vmem>>, vector<32x32xf32>
    %get3A_16 = arith.constant 0 : index
    %get3A_17 = arith.constant 0 : index
    %get3A_18 = vector.load %arg3[%get3A_16, %get3A_17] : memref<1x32xf32, #tpu.memory_space<vmem>>, vector<1x32xf32>
    %get3A_19 = arith.constant 0 : index
    %get3A_20 = arith.constant 0 : index
    %get3A_21 = vector.load %arg4[%get3A_19, %get3A_20] : memref<32x32xf32, #tpu.memory_space<vmem>>, vector<32x32xf32>
    %get3A_22 = arith.constant 0 : index
    %get3A_23 = arith.constant 0 : index
    %get3A_24 = vector.load %arg5[%get3A_22, %get3A_23] : memref<1x32xf32, #tpu.memory_space<vmem>>, vector<1x32xf32>
    %get3A_25 = arith.constant 0 : index
    %get3A_26 = arith.constant 0 : index
    %get3A_27 = vector.load %arg6[%get3A_25, %get3A_26] : memref<1x32xf32, #tpu.memory_space<vmem>>, vector<1x32xf32>
    %get3A_28 = arith.constant 0 : index
    %get3A_29 = arith.constant 0 : index
    %get3A_30 = vector.load %arg7[%get3A_28, %get3A_29] : memref<1x32xf32, #tpu.memory_space<vmem>>, vector<1x32xf32>
    %dot_general3A = arith.constant dense<0.000000e+00> : vector<10000x32xf32>
    %dot_general3A_31 = tpu.matmul %add3A_12, %get3A_15, %dot_general3A {dimension_numbers = #tpu.dot_dimension_numbers<[1], [0], [0], [1], [0, 0, 1, 1], [], []>, transpose_lhs_hint = false} : vector<10000x32xf32>, vector<32x32xf32>, vector<10000x32xf32> -> vector<10000x32xf32>
    %add3A_32 = vector.broadcast %get3A_18 : vector<1x32xf32> to vector<10000x32xf32>
    %add3A_33 = arith.addf %dot_general3A_31, %add3A_32 : vector<10000x32xf32>
    %max3A = arith.constant 0.000000e+00 : f32
    %max3A_34 = vector.broadcast %max3A : f32 to vector<10000x32xf32>
    %max3A_35 = arith.maximumf %add3A_33, %max3A_34 : vector<10000x32xf32>
    %dot_general3A_36 = arith.constant dense<0.000000e+00> : vector<10000x32xf32>
    %dot_general3A_37 = tpu.matmul %max3A_35, %get3A_21, %dot_general3A_36 {dimension_numbers = #tpu.dot_dimension_numbers<[1], [0], [0], [1], [0, 0, 1, 1], [], []>, transpose_lhs_hint = false} : vector<10000x32xf32>, vector<32x32xf32>, vector<10000x32xf32> -> vector<10000x32xf32>
    %add3A_38 = vector.broadcast %get3A_24 : vector<1x32xf32> to vector<10000x32xf32>
    %add3A_39 = arith.addf %dot_general3A_37, %add3A_38 : vector<10000x32xf32>
    %max3A_40 = arith.constant 0.000000e+00 : f32
    %max3A_41 = vector.broadcast %max3A_40 : f32 to vector<10000x32xf32>
    %max3A_42 = arith.maximumf %add3A_39, %max3A_41 : vector<10000x32xf32>
    %reduce_sum3A = arith.constant dense<0.000000e+00> : vector<32xf32>
    %reduce_sum3A_43 = vector.multi_reduction <add>, %max3A_42, %reduce_sum3A [0] : vector<10000x32xf32> to vector<32xf32>
    %broadcast_in_dim3A = vector.shape_cast %reduce_sum3A_43 : vector<32xf32> to vector<1x32xf32>
    %div3A = arith.constant 1.000000e+04 : f32
    %div3A_44 = vector.broadcast %div3A : f32 to vector<1x32xf32>
    %div3A_45 = arith.divf %broadcast_in_dim3A, %div3A_44 : vector<1x32xf32>
    %sub3A = vector.broadcast %div3A_45 : vector<1x32xf32> to vector<10000x32xf32>
    %sub3A_46 = arith.subf %max3A_42, %sub3A : vector<10000x32xf32>
    %mul3A = arith.mulf %sub3A_46, %sub3A_46 : vector<10000x32xf32>
    %reduce_sum3A_47 = arith.constant dense<0.000000e+00> : vector<32xf32>
    %reduce_sum3A_48 = vector.multi_reduction <add>, %mul3A, %reduce_sum3A_47 [0] : vector<10000x32xf32> to vector<32xf32>
    %broadcast_in_dim3A_49 = vector.shape_cast %reduce_sum3A_48 : vector<32xf32> to vector<1x32xf32>
    %div3A_50 = arith.constant 1.000000e+04 : f32
    %div3A_51 = vector.broadcast %div3A_50 : f32 to vector<1x32xf32>
    %div3A_52 = arith.divf %broadcast_in_dim3A_49, %div3A_51 : vector<1x32xf32>
    %add3A_53 = arith.constant 9.99999974E-6 : f32
    %add3A_54 = vector.broadcast %add3A_53 : f32 to vector<1x32xf32>
    %add3A_55 = arith.addf %div3A_52, %add3A_54 : vector<1x32xf32>
    %sqrt3A = math.sqrt %add3A_55 : vector<1x32xf32>
    %div3A_56 = vector.broadcast %sqrt3A : vector<1x32xf32> to vector<10000x32xf32>
    %div3A_57 = arith.divf %sub3A_46, %div3A_56 : vector<10000x32xf32>
    %mul3A_58 = vector.broadcast %get3A_27 : vector<1x32xf32> to vector<10000x32xf32>
    %mul3A_59 = arith.mulf %div3A_57, %mul3A_58 : vector<10000x32xf32>
    %add3A_60 = vector.broadcast %get3A_30 : vector<1x32xf32> to vector<10000x32xf32>
    %add3A_61 = arith.addf %mul3A_59, %add3A_60 : vector<10000x32xf32>
    %get3A_62 = arith.constant 0 : index
    %get3A_63 = arith.constant 0 : index
    %get3A_64 = vector.load %arg8[%get3A_62, %get3A_63] : memref<1x10000xf32, #tpu.memory_space<vmem>>, vector<1x10000xf32>
    %broadcast_in_dim3A_65 = vector.shape_cast %get3A_64 : vector<1x10000xf32> to vector<1x10000xf32>
    %broadcast_in_dim3A_66 = vector.broadcast %broadcast_in_dim3A_65 : vector<1x10000xf32> to vector<128x10000xf32>
    %iota3A = tpu.iota {dimensions = array<i32: 0>} : vector<128x10000xi32>
    %convert_element_type3A = arith.sitofp %iota3A : vector<128x10000xi32> to vector<128x10000xf32>
    %eq3A = arith.cmpf oeq, %broadcast_in_dim3A_66, %convert_element_type3A : vector<128x10000xf32>
    %jit3A = arith.constant 1.000000e+00 : f32
    %jit3A_67 = arith.constant 0.000000e+00 : f32
    %broadcast_in_dim3A_68 = vector.broadcast %jit3A : f32 to vector<128x10000xf32>
    %broadcast_in_dim3A_69 = vector.broadcast %jit3A_67 : f32 to vector<128x10000xf32>
    %select_n3A = arith.select %eq3A, %broadcast_in_dim3A_68, %broadcast_in_dim3A_69 : vector<128x10000xi1>, vector<128x10000xf32>
    %dot_general3A_70 = arith.constant dense<0.000000e+00> : vector<128x32xf32>
    %dot_general3A_71 = tpu.matmul %select_n3A, %add3A_61, %dot_general3A_70 {dimension_numbers = #tpu.dot_dimension_numbers<[1], [0], [0], [1], [0, 0, 1, 1], [], []>, precision = #tpu.contract_precision<fp32>, transpose_lhs_hint = false} : vector<128x10000xf32>, vector<10000x32xf32>, vector<128x32xf32> -> vector<128x32xf32>
    %get3A_72 = arith.constant 0 : index
    %get3A_73 = arith.constant 0 : index
    %get3A_74 = vector.load %arg9[%get3A_72, %get3A_73] : memref<32x128xf32, #tpu.memory_space<vmem>>, vector<32x128xf32>
    %dot_general3A_75 = arith.constant dense<0.000000e+00> : vector<128x128xf32>
    %dot_general3A_76 = tpu.matmul %dot_general3A_71, %get3A_74, %dot_general3A_75 {dimension_numbers = #tpu.dot_dimension_numbers<[1], [0], [0], [1], [0, 0, 1, 1], [], []>, transpose_lhs_hint = false} : vector<128x32xf32>, vector<32x128xf32>, vector<128x128xf32> -> vector<128x128xf32>
    %get3A_77 = arith.constant 0 : index
    %get3A_78 = arith.constant 0 : index
    %get3A_79 = vector.load %arg10[%get3A_77, %get3A_78] : memref<1x128xf32, #tpu.memory_space<vmem>>, vector<1x128xf32>
    %add3A_80 = vector.broadcast %get3A_79 : vector<1x128xf32> to vector<128x128xf32>
    %add3A_81 = arith.addf %dot_general3A_76, %add3A_80 : vector<128x128xf32>
    %max3A_82 = arith.constant 0.000000e+00 : f32
    %max3A_83 = vector.broadcast %max3A_82 : f32 to vector<128x128xf32>
    %max3A_84 = arith.maximumf %add3A_81, %max3A_83 : vector<128x128xf32>
    %swap3A = arith.constant 0 : index
    %swap3A_85 = arith.constant 0 : index
    %swap3A_86 = vector.load %arg11[%swap3A, %swap3A_85] : memref<128x128xf32, #tpu.memory_space<vmem>>, vector<128x128xf32>
    tpu.vector_store %arg11[%swap3A, %swap3A_85], %max3A_84 {strides = array<i32>} : memref<128x128xf32, #tpu.memory_space<vmem>>, vector<128x128xf32>,
    return
  }
}

</mosaic_0001>

<sc_bundles>
// kernel: kernel.12.cloned.1.call-start
scs
__scs_entry_jumppad:
0x0: {  	(pc) =	sbr.rel $0x88, $3  }
0x1: {  	(tag) =	ssettag $0x0;
	lr =	simm.s32 $0x1  }
0x2: {  	[smem:$0x3F7E] =	sst lr;
	_ =	strace $0xD0000000  }
0x3: {  	_ = 	snop  }
0x4: {  	_ = 	snop  }
0x5: {  	_ = 	snop  }
0x6: {  	_ = 	snop  }
0x7: {  	_ = 	snop  }
__scs_overlays_trampoline_lowered:
0x8: {  	[smem:$0x3F8D] =	sst s0  }
0x9: {  	[smem:$0x3F8E] =	sst s1  }
0xa: {  	[smem:$0x3F8F] =	sst s2  }
0xb: {  	[smem:$0x3F90] =	sst s3  }
0xc: {  	[smem:$0x3F91] =	sst s4  }
0xd: {  	[smem:$0x3F92] =	sst s5  }
0xe: {  	[smem:$0x3F93] =	sst s6  }
0xf: {  	[smem:$0x3F94] =	sst s7  }
0x10: {  	[smem:$0x3F95] =	sst s8  }
0x11: {  	[smem:$0x3F96] =	sst s9;
	s0 =	simm.s32 @!p0 $0x0  }
0x12: {  	s1 =	sld [smem:$0x3F7C];
	s0 =	simm.s32 @p0 $0x1  }
0x13: {  	[smem:$0x3F97] =	sst s0;
	s0 =	simm.s32 @!p1 $0x0  }
0x14: {  	s2 =	sld [smem:$0x3F7B];
	s0 =	simm.s32 @p1 $0x1  }
0x15: {  	[smem:$0x3F98] =	sst s0;
	s0 =	simm.s32 @!p2 $0x0  }
0x16: {  	s3 =	sld [smem:$0x3FDB];
	s0 =	simm.s32 @p2 $0x1  }
0x17: {  	s4 =	simm.s32 $0x1BF5;
	[smem:$0x3F9A] =	sst s0  }
0x18: {  	s0 =	sld [smem:$0x3F7D];
	_ =	swait.ge [sflag:s4], $0x0  }
0x19: {  	s7 =	sld [smem:$0x3F7E]  }
0x1a: {  	s8 =	sadd.s32 $0xFFFFE003, lr  }
0x1b: {  	s9 =	sadd.s32 $0xFFFFFEF7, lr;
	s5 =	simm.s32 $0xFFFFFFFF;
	p2 =	slt.u32 s8, $0xFFFFF086  }
0x1c: {  	p1 =	slt.u32 s9, $0xF7A;
	s5 =	simm.s32 @!p2 $0x0  }
0x1d: {  	s5 =	simm.s32 @p1 $0x1;
	p0 =	seq.s32 s7, s2  }
0x1e: {  	s7 =	smul.u32 @!p0 $0xF7A, s2;
	p2 =	seq.s32 @!p0 s5, $0x0  }
0x1f: {  	s9 =	smul.u32 $0xF7A, s1;
	s8 =	simm.s32 @!p0 $0x1BF5;
	p2 =	por !p2, p0  }
0x20: {  	[sflag:s8] =	ssyncset.s32 @!p0 $0xFFFFF086;
	s6 =	sadd.s32 @!p0 s3, s7;
	s7 =	simm.s32 @!p0 $0x108  }
0x21: {  	s3 =	sadd.s32 s3, s9;
	s6 =	sadd.s32 @!p0 $0x88, s6;
	s7 =	simm.s32 @p2 $0x1082  }
0x22: {  	[simem:s7], [sflag:s8] =	dma.local @!p0 [hbm:s6], $0xF7A  }
0x23: {  	s9 =	sor.u32 $0xD0000000, s2;
	s6 =	simm.s32 $0x108;
	_ =	swait.ge @!p0 [sflag:s8], $0x0  }
0x24: {  	s3 =	sadd.s32 $0x88, s3;
	s6 =	simm.s32 @!p1 $0x1082;
	[sflag:s4] =	ssyncset.s32 $0xFFFFF086  }
0x25: {  	[simem:s6], [sflag:s4] =	dma.local [hbm:s3], $0xF7A  }
0x26: {  	[smem:$0x3F7E] =	sst s1;
	(tag) =	ssettag s2;
	_ =	strace s9  }
0x27: {  	s1 =	sld [smem:$0x3F8E]  }
0x28: {  	s2 =	sld [smem:$0x3F8F]  }
0x29: {  	s4 =	sld [smem:$0x3F91]  }
0x2a: {  	p0 =	seq.s32 s5, $0x0;
	s5 =	sld [smem:$0x3F92]  }
0x2b: {  	s6 =	sld [smem:$0x3F93]  }
0x2c: {  	s7 =	sld [smem:$0x3F94]  }
0x2d: {  	s3 =	simm.s32 $0x108;
	s8 =	sld [smem:$0x3F95]  }
0x2e: {  	s3 =	simm.s32 @!p0 $0x1082;
	s9 =	sld [smem:$0x3F96]  }
0x2f: {  	lr =	sadd.s32 s0, s3;
	s0 =	sld [smem:$0x3F8D]  }
0x30: {  	s3 =	sld [smem:$0x3F90]  }
0x31: {  	[smem:$0x3F99] =	sst s10  }
0x32: {  	s10 =	sld [smem:$0x3F97];
	_ =	sdelay $0x3  }
0x33: {  	p0 =	seq.s32 s10, $0x1;
	s10 =	sld [smem:$0x3F99];
	_ =	sdelay $0x3  }
0x34: {  	[smem:$0x3F99] =	sst s10  }
0x35: {  	s10 =	sld [smem:$0x3F98];
	_ =	sdelay $0x3  }
0x36: {  	p1 =	seq.s32 s10, $0x1;
	s10 =	sld [smem:$0x3F99];
	_ =	sdelay $0x3  }
0x37: {  	[smem:$0x3F99] =	sst s10  }
0x38: {  	s10 =	sld [smem:$0x3F9A]  }
0x39: {  	_ = 	snop;
	(pc) =	sbr.ind lr, $3  }
0x3a: {  	_ = 	snop  }
0x3b: {  	_ = 	snop  }
0x3c: {  	p2 =	seq.s32 s10, $0x1;
	s10 =	sld [smem:$0x3F99]  }
0x3d: {  	_ =	shalt  }
0x3e: {  	_ =	shalt  }
0x3f: {  	_ =	shalt  }
0x40: {  	_ =	shalt  }
0x41: {  	_ =	shalt  }
0x42: {  	_ =	shalt  }
0x43: {  	_ =	shalt  }
0x44: {  	_ =	shalt  }
0x45: {  	_ =	shalt  }
0x46: {  	_ =	shalt  }
0x47: {  	_ =	shalt  }
0x48: {  	_ =	shalt  }
0x49: {  	_ =	shalt  }
0x4a: {  	_ =	shalt  }
0x4b: {  	_ =	shalt  }
0x4c: {  	_ =	shalt  }
0x4d: {  	_ =	shalt  }
0x4e: {  	_ =	shalt  }
0x4f: {  	_ =	shalt  }
0x50: {  	_ =	shalt  }
0x51: {  	_ =	shalt  }
0x52: {  	_ =	shalt  }
0x53: {  	_ =	shalt  }
0x54: {  	_ =	shalt  }
0x55: {  	_ =	shalt  }
0x56: {  	_ =	shalt  }
0x57: {  	_ =	shalt  }
0x58: {  	_ =	shalt  }
0x59: {  	_ =	shalt  }
0x5a: {  	_ =	shalt  }
0x5b: {  	_ =	shalt  }
0x5c: {  	_ =	shalt  }
0x5d: {  	_ =	shalt  }
0x5e: {  	_ =	shalt  }
0x5f: {  	_ =	shalt  }
0x60: {  	_ =	shalt  }
0x61: {  	_ =	shalt  }
0x62: {  	_ =	shalt  }
0x63: {  	_ =	shalt  }
0x64: {  	_ =	shalt  }
0x65: {  	_ =	shalt  }
0x66: {  	_ =	shalt  }
0x67: {  	_ =	shalt  }
0x68: {  	_ =	shalt  }
0x69: {  	_ =	shalt  }
0x6a: {  	_ =	shalt  }
0x6b: {  	_ =	shalt  }
0x6c: {  	_ =	shalt  }
0x6d: {  	_ =	shalt  }
0x6e: {  	_ =	shalt  }
0x6f: {  	_ =	shalt  }
0x70: {  	_ =	shalt  }
0x71: {  	_ =	shalt  }
0x72: {  	_ =	shalt  }
0x73: {  	_ =	shalt  }
0x74: {  	_ =	shalt  }
0x75: {  	_ =	shalt  }
0x76: {  	_ =	shalt  }
0x77: {  	_ =	shalt  }
0x78: {  	_ =	shalt  }
0x79: {  	_ =	shalt  }
0x7a: {  	_ =	shalt  }
0x7b: {  	_ =	shalt  }
0x7c: {  	_ =	shalt  }
0x7d: {  	_ =	shalt  }
0x7e: {  	_ =	shalt  }
0x7f: {  	_ =	shalt  }
0x80: {  	_ =	shalt  }
0x81: {  	_ =	shalt  }
0x82: {  	_ =	shalt  }
0x83: {  	_ =	shalt  }
0x84: {  	_ =	shalt  }
0x85: {  	_ =	shalt  }
0x86: {  	_ =	shalt  }
0x87: {  	_ =	shalt  }
.Lfunc_end0:
.L_simem_size_0:
called_computation_lowered:
.L_overlay_start_0:
0x88: {  	s2 =	sld [smem:$0x3FD9]  }
0x89: {  	s3 =	sld [smem:$0x3FFE];
	_ =	sdelay $0x1  }
0x8a: {  	s1 =	srdreg.scid  }
0x8b: {  	s0 =	sand.u32 $0x1, s1  }
0x8c: {  	s17 =	sshll.u32 s0, $0xA;
	s2 =	sadd.s32 s3, s2  }
0x8d: {  	s2 =	sadd.s32 s2, s17  }
0x8e: {  	[smem:$0x3FA5] =	sst s2  }
0x8f: {  	_ = 	snop  }
0x90: {  	s2 =	sld [smem:$0x3FC9];
	(tm) =	ssettm $0x1  }
0x91: {  	s18 =	sld [smem:$0x3FFB];
	_ =	sdelay $0x3  }
0x92: {  	_ =	strace s18  }
0x93: {  	s3 =	sld [smem:$0x3FFC];
	_ =	sdelay $0x3  }
0x94: {  	_ =	strace s3  }
0x95: {  	s3 =	sld [smem:$0x3FFD];
	_ =	sdelay $0x3  }
0x96: {  	_ =	strace s3  }
0x97: {  	_ =	strace $0x8FFFFFFF  }
0x98: {  	s19 =	sld [smem:$0x3FDB];
	_ =	sdelay $0x1  }
0x99: {  	s4 =	simm.s32 $_scs_section_size  }
0x9a: {  	s5 =	simm.s32 $_size__tile_overlayer_lowered;
	s6 =	simm.s32 $_tile_overlayer_lowered  }
0x9b: {  	s22 =	simm.s32 $0x1BFF;
	s21 =	sshll.u32 s6, $0x1;
	s3 =	sadd.s32 s4, s19  }
0x9c: {  	s7 =	simm.s32 $0x0;
	s20 =	sshll.u32 s5, $0x1;
	s5 =	sadd.s32 s21, s3  }
0x9d: {  	[timem:s7], [sflag:s22] =	dma.local [hbm:s5], s20  }
0x9e: {  	_ =	swait.ge [sflag:s22], s20  }
0x9f: {  	s4 =	ssub.s32 $0x0, s20;
	[sflag:s22] =	ssyncset.done $0x0  }
0xa0: {  	[sflag:s22] =	ssyncadd.s32 s4;
	_ =	sdelay $0x1  }
0xa1: {  	s23 =	simm.s32 $0x1B8B  }
0xa2: {  	_ =	swait.ge [sflag:s23], $0x1  }
0xa3: {  	[sflag:s23] =	ssyncset.done $0x0  }
0xa4: {  	s25 =	simm.s32 $0x1B8E;
	s24 =	sld [smem:$0x3FFE];
	[sflag:s23] =	ssyncadd.s32 $0xFFFFFFFF  }
0xa5: {  	s26 =	simm.s32 $execute0_lowered;
	[smem:$0x3FD2] =	sst s25  }
0xa6: {  	s5 =	sshll.u32 s26, $0x1;
	_ =	strace $0x80000046;
	[dreg:$0x1] =	wrdreg $0xFFFFFFFF  }
0xa7: {  	s28 =	simm.s32 $_size_execute0_lowered;
	s3 =	sadd.s32 s3, s5;
	[dreg:$0x0] =	wrdreg $0x0  }
0xa8: {  	s5 =	sshll.u32 s28, $0x1;
	[dreg:$0x2] =	wrdreg s3  }
0xa9: {  	[dreg:$0x3] =	wrdreg s5  }
0xaa: {  	[dreg:$0x4] =	wrdreg $0xC0  }
0xab: {  	_ =	task [dreg:s7], $0x5FFFF  }
0xac: {  	[dreg:$0x1] =	wrdreg $0xFFFFFFFF  }
0xad: {  	[dreg:$0x0] =	wrdreg $0x60  }
0xae: {  	[dreg:$0x2] =	wrdreg s2  }
0xaf: {  	[dreg:$0x3] =	wrdreg s24  }
0xb0: {  	[dreg:$0x4] =	wrdreg $0x8F000  }
0xb1: {  	[dreg:$0x5] =	wrdreg $0x9  }
0xb2: {  	_ =	task.clear_ibuf [dreg:s7], $0x6FFFF;
	_ =	strace $0x90000046  }
0xb3: {  	s29 =	simm.s32 $0x9;
	_ =	strace $0x80000048  }
0xb4: {  	_ =	swait.ge [sflag:s29], $0x1  }
0xb5: {  	[sflag:s29] =	ssyncadd.s32 $0xFFFFFFFF  }
0xb6: {  	_ =	strace $0x90000048  }
0xb7: {  	_ =	sfence  }
0xb8: {  	s30 =	sld [smem:$0x0];
	_ =	sdelay $0x2  }
0xb9: {  	s31 =	sshll.u32 s1, $0xD;
	s1 =	sshrl.u32 s1, $0x2  }
0xba: {  	s3 =	sand.u32 $0x4000, s31;
	s1 =	sadd.s32 s1, s30  }
0xbb: {  	s0 =	sor.u32 s3, s0;
	s1 =	sshll.u32 s1, $0x11  }
0xbc: {  	s0 =	sor.u32 s1, s0  }
0xbd: {  	s0 =	sadd.s32 $0x8F2B, s0  }
0xbe: {  	[sflag:s0] =	ssyncadd.remote.s32 $0x1  }
0xbf: {  	_ =	sfence.sel $0xFFFF  }
0xc0: {  	[dreg:$0x0] =	wrdreg $0xFFFFFFFF;
	(pc) =	sbr.abs _section_cstart, $3  }
0xc1: {  	[dreg:$0x1] =	wrdreg $0xFFFFFFFF  }
0xc2: {  	_ =	task.clear_ibuf [dreg:s7], $0x2FFFF;
	_ =	strace $0x9FFFFFFF  }
0xc3: {  	(tm) =	ssettm $0x7FFFFFFF  }
tec
execute0_lowered:
.L_overlay_start_1:
0x0: {  	(tag) =	ssettag $0x1  }
0x1: {  	s1 =	rddreg [dreg:$0x0]  }
0x2: {  	s2 =	srdreg.scid;
	s6 =	rddreg [dreg:$0x1]  }
0x3: {  	s0 =	stileid.u32;
	s3 =	rddreg [dreg:$0x2];
	s4 =	simm.s32 $0x0  }
0x4: {  	s14 =	simm.s32 $0x80;
	s15 =	simm.s32 $0x4F00;
	s16 =	simm.s32 $0x0  }
0x5: {  	s5 =	sand.u32 $0x1, s2;
	s28 =	sshll.u32 s0, $0x1;
	s8 =	smul.u32 $0x15000, s0  }
0x6: {  	[smem:$0x7FF] =	sst s4;
	s31 =	sshll.u32 s0, $0x6;
	s2 =	sor.u32 s5, s28  }
0x7: {  	s9 =	smul.u32 $0x150000, s5;
	s30 =	ssub.s32 $0x2, s5;
	s5 =	sadd.s32 $0x1C600, s6  }
0x8: {  	s7 =	smul.u32 $0x4F0, s2;
	s2 =	rddreg [dreg:$0x3];
	_ =	strace $0x80000047  }
0x9: {  	s11 =	sshrl.u32 s30, $0x1;
	s13 =	sadd.s32 s8, s3;
	s29 =	sadd.s32 s8, s9  }
0xa: {  	s11 =	ssub.s32 s30, s11;
	s10 =	sadd.s32 s7, s6;
	s7 =	sshrl.u32 s29, $0x3  }
0xb: {  	s12 =	sadd.s32 s7, s6;
	s6 =	sor.u32 $0x1C01, s31;
	s7 =	sadd.s32 $0x8A00, s10  }
0xc: {  	s8 =	sadd.s32 $0x12800, s10;
	s10 =	smax.u32 s11, $0x1;
	s11 =	sshrl.u32 s13, $0x3  }
0xd: {  	s13 =	simm.s32 $0x2780;
	s9 =	sadd.s32 $0x1F000, s12;
	s12 =	simm.s32 $0x1  }
.LBB2_1:
0xe: {  	[spmem:s11], [sflag:s6] =	dma.local [hbm:s5], $0x2A00  }
0xf: {  	_ =	swait.ge [sflag:s12], $0x2A00  }
0x10: {  	[sflag:s12] =	ssyncset.done $0x0  }
0x11: {  	[sflag:s12] =	ssyncadd.s32 $0xFFFFD600  }
0x12: {  	[tilespmem:s4], [sflag:$0x1] =	stream.linear.gather [hbm4b:s7+s4], $0x2780, $0x38;
	[tilespmem:$0x1DF00] =	vst v63  }
0x13: {  	_ =	swait.ge [sflag:s12], $0x2780  }
0x14: {  	[sflag:s12] =	ssyncset.done $0x0  }
0x15: {  	[sflag:s12] =	ssyncadd.s32 $0xFFFFD880  }
0x16: {  	[tilespmem:s13], [sflag:$0x1] =	stream.linear.gather [hbm4b:s8+s4], $0x2780, $0x38;
	[tilespmem:$0x1DF00] =	vst v63  }
0x17: {  	_ =	swait.ge [sflag:s12], $0x2780  }
0x18: {  	[sflag:s12] =	ssyncset.done $0x0  }
0x19: {  	[sflag:s12] =	ssyncadd.s32 $0xFFFFD880  }
0x1a: {  	s17 =	simm.s32 $0x0;
	[bflag:$0x0] =	sbarrier.arrive $0xFFFF  }
0x1b: {  	[tilespmem:s15], [sflag:$0x1] =	stream.indirect.gather [hbm4b:s1+s14], $0x80, s17, s14, $0xb8;
	[tilespmem:$0x1DF00] =	vst v63  }
0x1c: {  	_ =	swait.ge [sflag:s12], $0x4000  }
0x1d: {  	[sflag:s12] =	ssyncset.done $0x0  }
0x1e: {  	s31 =	simm.s32 $0x2780;
	[sflag:s12] =	ssyncadd.s32 $0xFFFFC000  }
0x1f: {  	[spmem:s3] =	stream.indirect.scatter.add.f32 [tilespmem:s15], [sflag:$0x1], $0x80, s31, s14, $0xb8;
	[tilespmem:$0x1DF00] =	vst v63  }
0x20: {  	_ =	swait.ge [sflag:s12], $0x4000  }
0x21: {  	s18 =	simm.s32 $0x400;
	s17 =	simm.s32 $0x200;
	[sflag:s12] =	ssyncset.done $0x0  }
.LBB2_2:
0x22: {  	s19 =	sshra.s32 s17, $0x2  }
0x23: {  	[sflag:s12] =	ssyncadd.s32 $0xFFFFC000;
	s17 =	smov.u32 s18;
	s20 =	sadd.s32 $0x200, s18  }
0x24: {  	[tilespmem:s15], [sflag:$0x1] =	stream.indirect.gather [hbm4b:s1+s14], $0x80, s19, s14, $0xb8;
	[tilespmem:$0x1DF00] =	vst v63  }
0x25: {  	p0 =	sne.s32 s18, $0x9C00;
	_ =	swait.ge [sflag:s12], $0x4000  }
.Ltmp0:
0x26: {  	[sflag:s12] =	ssyncset.done $0x0;
	(pc) =	sbr.rel @p0 .LBB2_2-.Ltmp0, $4  }
0x27: {  	s18 =	sadd.s32 $0x2780, s19;
	[sflag:s12] =	ssyncadd.s32 $0xFFFFC000  }
0x28: {  	[spmem:s3] =	stream.indirect.scatter.add.f32 [tilespmem:s15], [sflag:$0x1], $0x80, s18, s14, $0xb8;
	[tilespmem:$0x1DF00] =	vst v63  }
0x29: {  	_ =	swait.ge [sflag:s12], $0x4000  }
0x2a: {  	s18 =	smov.u32 s20;
	[sflag:s12] =	ssyncset.done $0x0  }
0x2b: {  	s17 =	sshra.s32 s17, $0x2;
	[sflag:s12] =	ssyncadd.s32 $0xFFFFC000  }
0x2c: {  	[tilespmem:s15], [sflag:$0x1] =	stream.indirect.gather [hbm4b:s1+s14], $0x80, s17, s14, $0xb8;
	[tilespmem:$0x1DF00] =	vst v63  }
0x2d: {  	_ =	swait.ge [sflag:s12], $0x4000  }
0x2e: {  	[sflag:s12] =	ssyncset.done $0x0  }
0x2f: {  	s17 =	sadd.s32 $0x2780, s17;
	[sflag:s12] =	ssyncadd.s32 $0xFFFFC000  }
0x30: {  	[spmem:s3] =	stream.indirect.scatter.add.f32 [tilespmem:s15], [sflag:$0x1], $0x80, s17, s14, $0xb8;
	[tilespmem:$0x1DF00] =	vst v63  }
0x31: {  	_ =	swait.ge [sflag:s12], $0x4000  }
0x32: {  	[sflag:s12] =	ssyncset.done $0x0  }
0x33: {  	[sflag:s12] =	ssyncadd.s32 $0xFFFFC000  }
0x34: {  	[bflag:$0x0] =	sbarrier.arrive $0xFFFF  }
0x35: {  	[hbm:s9], [sflag:s6] =	dma.local [spmem:s11], $0x2A00  }
0x36: {  	_ =	swait.ge [sflag:s12], $0x2A00  }
0x37: {  	s16 =	sadd.s32 $0x1, s16;
	[sflag:s12] =	ssyncset.done $0x0  }
0x38: {  	p0 =	sne.s32 s16, s10;
	[sflag:s12] =	ssyncadd.s32 $0xFFFFD600  }
.Ltmp1:
0x39: {  	[bflag:$0x0] =	sbarrier.arrive $0xFFFF;
	(pc) =	sbr.rel @p0 .LBB2_1-.Ltmp1, $4  }
0x3a: {  	[hbm:s9], [sflag:s6] =	dma.local [spmem:s11], $0x2A00  }
0x3b: {  	_ =	swait.ge [sflag:s12], $0x2A00  }
0x3c: {  	[sflag:s12] =	ssyncset.done $0x0  }
0x3d: {  	[sflag:s12] =	ssyncadd.s32 $0xFFFFD600  }
0x3e: {  	_ =	sfence.sel $0x180000  }
0x3f: {  	[bflag:$0x0] =	sbarrier.arrive $0xFFFF  }
0x40: {  	p0 =	sne.s32 s0, $0x0;
	_ =	strace $0x90000047  }
0x41: {  	s0 =	sadd.s32 @!p0 $0x100000, s2;
	[bflag:$0x2] =	sbarrier.arrive $0xFFFF  }
0x42: {  	[sflag:s0] =	ssyncadd.tile.s32 @!p0 $0x1;
	_ =	shalt  }
.Lfunc_end2:
_tile_overlayer_lowered:
.L_overlay_start_2:
0x43: {  	(tag) =	ssettag $0x2  }
0x44: {  	s0 =	rddreg [dreg:$0x0];
	s2 =	stileid.u32  }
0x45: {  	s1 =	rddreg [dreg:$0x1];
	p0 =	sne.s32 s2, $0x0  }
0x46: {  	s3 =	rddreg [dreg:$0x2];
	[bflag:$0x3] =	sbarrier.arrive $0xFFFF;
	s2 =	simm.s32 @!p0 $0x1C01  }
0x47: {  	[timem:s3], [sflag:s2] =	dma.local @!p0 [hbm:s0], s1  }
0x48: {  	s0 =	simm.s32 @!p0 $0x1  }
0x49: {  	_ =	swait.ge @!p0 [sflag:s0], s1  }
0x4a: {  	s1 =	ssub.s32 @!p0 $0x0, s1;
	[sflag:s0] =	ssyncset.done @!p0 $0x0  }
0x4b: {  	[sflag:s0] =	ssyncadd.s32 @!p0 s1  }
0x4c: {  	[bflag:$0x3] =	sbarrier.arrive $0xFFFF  }
0x4d: {  	_ =	shalt  }

// kernel: kernel.15.cloned.1.call-start
scs
__scs_entry_jumppad:
0x0: {  	(pc) =	sbr.rel $0x88, $3  }
0x1: {  	(tag) =	ssettag $0x0;
	lr =	simm.s32 $0x1  }
0x2: {  	[smem:$0x3F7E] =	sst lr;
	_ =	strace $0xD0000000  }
0x3: {  	_ = 	snop  }
0x4: {  	_ = 	snop  }
0x5: {  	_ = 	snop  }
0x6: {  	_ = 	snop  }
0x7: {  	_ = 	snop  }
__scs_overlays_trampoline_lowered:
0x8: {  	[smem:$0x3F8D] =	sst s0  }
0x9: {  	[smem:$0x3F8E] =	sst s1  }
0xa: {  	[smem:$0x3F8F] =	sst s2  }
0xb: {  	[smem:$0x3F90] =	sst s3  }
0xc: {  	[smem:$0x3F91] =	sst s4  }
0xd: {  	[smem:$0x3F92] =	sst s5  }
0xe: {  	[smem:$0x3F93] =	sst s6  }
0xf: {  	[smem:$0x3F94] =	sst s7  }
0x10: {  	[smem:$0x3F95] =	sst s8  }
0x11: {  	[smem:$0x3F96] =	sst s9;
	s0 =	simm.s32 @!p0 $0x0  }
0x12: {  	s1 =	sld [smem:$0x3F7C];
	s0 =	simm.s32 @p0 $0x1  }
0x13: {  	[smem:$0x3F97] =	sst s0;
	s0 =	simm.s32 @!p1 $0x0  }
0x14: {  	s2 =	sld [smem:$0x3F7B];
	s0 =	simm.s32 @p1 $0x1  }
0x15: {  	[smem:$0x3F98] =	sst s0;
	s0 =	simm.s32 @!p2 $0x0  }
0x16: {  	s3 =	sld [smem:$0x3FDB];
	s0 =	simm.s32 @p2 $0x1  }
0x17: {  	s4 =	simm.s32 $0x1BF5;
	[smem:$0x3F9A] =	sst s0  }
0x18: {  	s0 =	sld [smem:$0x3F7D];
	_ =	swait.ge [sflag:s4], $0x0  }
0x19: {  	s7 =	sld [smem:$0x3F7E]  }
0x1a: {  	s8 =	sadd.s32 $0xFFFFE003, lr  }
0x1b: {  	s9 =	sadd.s32 $0xFFFFFEF7, lr;
	s5 =	simm.s32 $0xFFFFFFFF;
	p2 =	slt.u32 s8, $0xFFFFF086  }
0x1c: {  	p1 =	slt.u32 s9, $0xF7A;
	s5 =	simm.s32 @!p2 $0x0  }
0x1d: {  	s5 =	simm.s32 @p1 $0x1;
	p0 =	seq.s32 s7, s2  }
0x1e: {  	s7 =	smul.u32 @!p0 $0xF7A, s2;
	p2 =	seq.s32 @!p0 s5, $0x0  }
0x1f: {  	s9 =	smul.u32 $0xF7A, s1;
	s8 =	simm.s32 @!p0 $0x1BF5;
	p2 =	por !p2, p0  }
0x20: {  	[sflag:s8] =	ssyncset.s32 @!p0 $0xFFFFF086;
	s6 =	sadd.s32 @!p0 s3, s7;
	s7 =	simm.s32 @!p0 $0x108  }
0x21: {  	s3 =	sadd.s32 s3, s9;
	s6 =	sadd.s32 @!p0 $0x88, s6;
	s7 =	simm.s32 @p2 $0x1082  }
0x22: {  	[simem:s7], [sflag:s8] =	dma.local @!p0 [hbm:s6], $0xF7A  }
0x23: {  	s9 =	sor.u32 $0xD0000000, s2;
	s6 =	simm.s32 $0x108;
	_ =	swait.ge @!p0 [sflag:s8], $0x0  }
0x24: {  	s3 =	sadd.s32 $0x88, s3;
	s6 =	simm.s32 @!p1 $0x1082;
	[sflag:s4] =	ssyncset.s32 $0xFFFFF086  }
0x25: {  	[simem:s6], [sflag:s4] =	dma.local [hbm:s3], $0xF7A  }
0x26: {  	[smem:$0x3F7E] =	sst s1;
	(tag) =	ssettag s2;
	_ =	strace s9  }
0x27: {  	s1 =	sld [smem:$0x3F8E]  }
0x28: {  	s2 =	sld [smem:$0x3F8F]  }
0x29: {  	s4 =	sld [smem:$0x3F91]  }
0x2a: {  	p0 =	seq.s32 s5, $0x0;
	s5 =	sld [smem:$0x3F92]  }
0x2b: {  	s6 =	sld [smem:$0x3F93]  }
0x2c: {  	s7 =	sld [smem:$0x3F94]  }
0x2d: {  	s3 =	simm.s32 $0x108;
	s8 =	sld [smem:$0x3F95]  }
0x2e: {  	s3 =	simm.s32 @!p0 $0x1082;
	s9 =	sld [smem:$0x3F96]  }
0x2f: {  	lr =	sadd.s32 s0, s3;
	s0 =	sld [smem:$0x3F8D]  }
0x30: {  	s3 =	sld [smem:$0x3F90]  }
0x31: {  	[smem:$0x3F99] =	sst s10  }
0x32: {  	s10 =	sld [smem:$0x3F97];
	_ =	sdelay $0x3  }
0x33: {  	p0 =	seq.s32 s10, $0x1;
	s10 =	sld [smem:$0x3F99];
	_ =	sdelay $0x3  }
0x34: {  	[smem:$0x3F99] =	sst s10  }
0x35: {  	s10 =	sld [smem:$0x3F98];
	_ =	sdelay $0x3  }
0x36: {  	p1 =	seq.s32 s10, $0x1;
	s10 =	sld [smem:$0x3F99];
	_ =	sdelay $0x3  }
0x37: {  	[smem:$0x3F99] =	sst s10  }
0x38: {  	s10 =	sld [smem:$0x3F9A]  }
0x39: {  	_ = 	snop;
	(pc) =	sbr.ind lr, $3  }
0x3a: {  	_ = 	snop  }
0x3b: {  	_ = 	snop  }
0x3c: {  	p2 =	seq.s32 s10, $0x1;
	s10 =	sld [smem:$0x3F99]  }
0x3d: {  	_ =	shalt  }
0x3e: {  	_ =	shalt  }
0x3f: {  	_ =	shalt  }
0x40: {  	_ =	shalt  }
0x41: {  	_ =	shalt  }
0x42: {  	_ =	shalt  }
0x43: {  	_ =	shalt  }
0x44: {  	_ =	shalt  }
0x45: {  	_ =	shalt  }
0x46: {  	_ =	shalt  }
0x47: {  	_ =	shalt  }
0x48: {  	_ =	shalt  }
0x49: {  	_ =	shalt  }
0x4a: {  	_ =	shalt  }
0x4b: {  	_ =	shalt  }
0x4c: {  	_ =	shalt  }
0x4d: {  	_ =	shalt  }
0x4e: {  	_ =	shalt  }
0x4f: {  	_ =	shalt  }
0x50: {  	_ =	shalt  }
0x51: {  	_ =	shalt  }
0x52: {  	_ =	shalt  }
0x53: {  	_ =	shalt  }
0x54: {  	_ =	shalt  }
0x55: {  	_ =	shalt  }
0x56: {  	_ =	shalt  }
0x57: {  	_ =	shalt  }
0x58: {  	_ =	shalt  }
0x59: {  	_ =	shalt  }
0x5a: {  	_ =	shalt  }
0x5b: {  	_ =	shalt  }
0x5c: {  	_ =	shalt  }
0x5d: {  	_ =	shalt  }
0x5e: {  	_ =	shalt  }
0x5f: {  	_ =	shalt  }
0x60: {  	_ =	shalt  }
0x61: {  	_ =	shalt  }
0x62: {  	_ =	shalt  }
0x63: {  	_ =	shalt  }
0x64: {  	_ =	shalt  }
0x65: {  	_ =	shalt  }
0x66: {  	_ =	shalt  }
0x67: {  	_ =	shalt  }
0x68: {  	_ =	shalt  }
0x69: {  	_ =	shalt  }
0x6a: {  	_ =	shalt  }
0x6b: {  	_ =	shalt  }
0x6c: {  	_ =	shalt  }
0x6d: {  	_ =	shalt  }
0x6e: {  	_ =	shalt  }
0x6f: {  	_ =	shalt  }
0x70: {  	_ =	shalt  }
0x71: {  	_ =	shalt  }
0x72: {  	_ =	shalt  }
0x73: {  	_ =	shalt  }
0x74: {  	_ =	shalt  }
0x75: {  	_ =	shalt  }
0x76: {  	_ =	shalt  }
0x77: {  	_ =	shalt  }
0x78: {  	_ =	shalt  }
0x79: {  	_ =	shalt  }
0x7a: {  	_ =	shalt  }
0x7b: {  	_ =	shalt  }
0x7c: {  	_ =	shalt  }
0x7d: {  	_ =	shalt  }
0x7e: {  	_ =	shalt  }
0x7f: {  	_ =	shalt  }
0x80: {  	_ =	shalt  }
0x81: {  	_ =	shalt  }
0x82: {  	_ =	shalt  }
0x83: {  	_ =	shalt  }
0x84: {  	_ =	shalt  }
0x85: {  	_ =	shalt  }
0x86: {  	_ =	shalt  }
0x87: {  	_ =	shalt  }
.Lfunc_end0:
.L_simem_size_0:
called_computation.1_lowered:
.L_overlay_start_0:
0x88: {  	s2 =	sld [smem:$0x3FD9]  }
0x89: {  	s3 =	sld [smem:$0x3FFE];
	_ =	sdelay $0x1  }
0x8a: {  	s1 =	srdreg.scid  }
0x8b: {  	s0 =	sand.u32 $0x1, s1  }
0x8c: {  	s16 =	sshll.u32 s0, $0xA;
	s2 =	sadd.s32 s3, s2  }
0x8d: {  	s2 =	sadd.s32 s2, s16  }
0x8e: {  	[smem:$0x3FA5] =	sst s2  }
0x8f: {  	_ = 	snop  }
0x90: {  	(tm) =	ssettm $0x1  }
0x91: {  	s17 =	sld [smem:$0x3FFB];
	_ =	sdelay $0x3  }
0x92: {  	_ =	strace s17  }
0x93: {  	s2 =	sld [smem:$0x3FFC];
	_ =	sdelay $0x3  }
0x94: {  	_ =	strace s2  }
0x95: {  	s2 =	sld [smem:$0x3FFD];
	_ =	sdelay $0x3  }
0x96: {  	_ =	strace s2  }
0x97: {  	_ =	strace $0x8FFFFFFF  }
0x98: {  	s18 =	sld [smem:$0x3FDB];
	_ =	sdelay $0x1  }
0x99: {  	s19 =	simm.s32 $_scs_section_size  }
0x9a: {  	s4 =	simm.s32 $_size__tile_overlayer_lowered;
	s5 =	simm.s32 $_tile_overlayer_lowered  }
0x9b: {  	s22 =	simm.s32 $0x1BFF;
	s21 =	sshll.u32 s5, $0x1;
	s2 =	sadd.s32 s19, s18  }
0x9c: {  	s6 =	simm.s32 $0x0;
	s20 =	sshll.u32 s4, $0x1;
	s4 =	sadd.s32 s21, s2  }
0x9d: {  	[timem:s6], [sflag:s22] =	dma.local [hbm:s4], s20  }
0x9e: {  	_ =	swait.ge [sflag:s22], s20  }
0x9f: {  	s3 =	ssub.s32 $0x0, s20;
	[sflag:s22] =	ssyncset.done $0x0  }
0xa0: {  	[sflag:s22] =	ssyncadd.s32 s3;
	_ =	sdelay $0x1  }
0xa1: {  	s23 =	simm.s32 $0x1B8B  }
0xa2: {  	_ =	swait.ge [sflag:s23], $0x1  }
0xa3: {  	[sflag:s23] =	ssyncset.done $0x0  }
0xa4: {  	s25 =	simm.s32 $0x1B8E;
	s24 =	sld [smem:$0x3FFE];
	[sflag:s23] =	ssyncadd.s32 $0xFFFFFFFF  }
0xa5: {  	s26 =	simm.s32 $execute0_lowered;
	[smem:$0x3FD2] =	sst s25  }
0xa6: {  	s4 =	sshll.u32 s26, $0x1;
	_ =	strace $0x80000049;
	[dreg:$0x1] =	wrdreg $0xFFFFFFFF  }
0xa7: {  	s28 =	simm.s32 $_size_execute0_lowered;
	s2 =	sadd.s32 s2, s4;
	[dreg:$0x0] =	wrdreg $0x0  }
0xa8: {  	s4 =	sshll.u32 s28, $0x1;
	[dreg:$0x2] =	wrdreg s2  }
0xa9: {  	[dreg:$0x3] =	wrdreg s4  }
0xaa: {  	[dreg:$0x4] =	wrdreg $0xC0  }
0xab: {  	_ =	task [dreg:s6], $0x5FFFF  }
0xac: {  	[dreg:$0x1] =	wrdreg $0xFFFFFFFF  }
0xad: {  	[dreg:$0x0] =	wrdreg $0x60  }
0xae: {  	[dreg:$0x2] =	wrdreg s24  }
0xaf: {  	[dreg:$0x3] =	wrdreg $0x8F000  }
0xb0: {  	[dreg:$0x4] =	wrdreg $0x9  }
0xb1: {  	_ =	task.clear_ibuf [dreg:s6], $0x5FFFF;
	_ =	strace $0x90000049  }
0xb2: {  	s29 =	simm.s32 $0x9;
	_ =	strace $0x8000004B  }
0xb3: {  	_ =	swait.ge [sflag:s29], $0x1  }
0xb4: {  	[sflag:s29] =	ssyncadd.s32 $0xFFFFFFFF  }
0xb5: {  	_ =	strace $0x9000004B  }
0xb6: {  	_ =	sfence  }
0xb7: {  	s30 =	sld [smem:$0x0];
	_ =	sdelay $0x2  }
0xb8: {  	s31 =	sshll.u32 s1, $0xD;
	s1 =	sshrl.u32 s1, $0x2  }
0xb9: {  	s3 =	sand.u32 $0x4000, s31;
	s1 =	sadd.s32 s1, s30  }
0xba: {  	s0 =	sor.u32 s3, s0;
	s1 =	sshll.u32 s1, $0x11  }
0xbb: {  	s0 =	sor.u32 s1, s0  }
0xbc: {  	s0 =	sadd.s32 $0x8F2B, s0  }
0xbd: {  	[sflag:s0] =	ssyncadd.remote.s32 $0x1  }
0xbe: {  	_ =	sfence.sel $0xFFFF  }
0xbf: {  	[dreg:$0x0] =	wrdreg $0xFFFFFFFF;
	(pc) =	sbr.abs _section_cstart, $3  }
0xc0: {  	[dreg:$0x1] =	wrdreg $0xFFFFFFFF  }
0xc1: {  	_ =	task.clear_ibuf [dreg:s6], $0x2FFFF;
	_ =	strace $0x9FFFFFFF  }
0xc2: {  	(tm) =	ssettm $0x7FFFFFFF  }
0xc3: {  	_ =	shalt  }
tec
execute0_lowered:
.L_overlay_start_1:
0x0: {  	(tag) =	ssettag $0x1  }
0x1: {  	s1 =	srdreg.scid  }
0x2: {  	s0 =	stileid.u32;
	s6 =	rddreg [dreg:$0x0]  }
0x3: {  	s2 =	rddreg [dreg:$0x1];
	s3 =	simm.s32 $0x0;
	s14 =	simm.s32 $0x80  }
0x4: {  	s15 =	simm.s32 $0x4F00;
	s16 =	simm.s32 $0x0;
	s5 =	sand.u32 $0x1, s1  }
0x5: {  	s28 =	sshll.u32 s0, $0x1;
	s8 =	smul.u32 $0x15000, s0;
	[smem:$0x7FF] =	sst s3  }
0x6: {  	s4 =	sadd.s32 $0x1F000, s6;
	s31 =	sshll.u32 s0, $0x6;
	s1 =	sor.u32 s5, s28  }
0x7: {  	s9 =	smul.u32 $0x150000, s5;
	s30 =	ssub.s32 $0x2, s5;
	s5 =	sadd.s32 $0x1C600, s6  }
0x8: {  	s7 =	smul.u32 $0x4F0, s1;
	s1 =	rddreg [dreg:$0x2];
	_ =	strace $0x8000004A  }
0x9: {  	s11 =	sshrl.u32 s30, $0x1;
	s13 =	sadd.s32 s8, s2;
	s29 =	sadd.s32 s8, s9  }
0xa: {  	s11 =	ssub.s32 s30, s11;
	s10 =	sadd.s32 s7, s6;
	s7 =	sshrl.u32 s29, $0x3  }
0xb: {  	s12 =	sadd.s32 s7, s6;
	s6 =	sor.u32 $0x1C01, s31;
	s7 =	sadd.s32 $0x8A00, s10  }
0xc: {  	s8 =	sadd.s32 $0x12800, s10;
	s10 =	smax.u32 s11, $0x1;
	s11 =	sshrl.u32 s13, $0x3  }
0xd: {  	s13 =	simm.s32 $0x2780;
	s9 =	sadd.s32 $0x46200, s12;
	s12 =	simm.s32 $0x1  }
.LBB2_1:
0xe: {  	[spmem:s11], [sflag:s6] =	dma.local [hbm:s5], $0x2A00  }
0xf: {  	_ =	swait.ge [sflag:s12], $0x2A00  }
0x10: {  	[sflag:s12] =	ssyncset.done $0x0  }
0x11: {  	[sflag:s12] =	ssyncadd.s32 $0xFFFFD600  }
0x12: {  	[tilespmem:s3], [sflag:$0x1] =	stream.linear.gather [hbm4b:s7+s3], $0x2780, $0x38;
	[tilespmem:$0x1DF00] =	vst v63  }
0x13: {  	_ =	swait.ge [sflag:s12], $0x2780  }
0x14: {  	[sflag:s12] =	ssyncset.done $0x0  }
0x15: {  	[sflag:s12] =	ssyncadd.s32 $0xFFFFD880  }
0x16: {  	[tilespmem:s13], [sflag:$0x1] =	stream.linear.gather [hbm4b:s8+s3], $0x2780, $0x38;
	[tilespmem:$0x1DF00] =	vst v63  }
0x17: {  	_ =	swait.ge [sflag:s12], $0x2780  }
0x18: {  	[sflag:s12] =	ssyncset.done $0x0  }
0x19: {  	[sflag:s12] =	ssyncadd.s32 $0xFFFFD880  }
0x1a: {  	s17 =	simm.s32 $0x0;
	[bflag:$0x0] =	sbarrier.arrive $0xFFFF  }
0x1b: {  	[tilespmem:s15], [sflag:$0x1] =	stream.indirect.gather [hbm4b:s4+s14], $0x80, s17, s14, $0xb8;
	[tilespmem:$0x1DF00] =	vst v63  }
0x1c: {  	_ =	swait.ge [sflag:s12], $0x4000  }
0x1d: {  	[sflag:s12] =	ssyncset.done $0x0  }
0x1e: {  	s31 =	simm.s32 $0x2780;
	[sflag:s12] =	ssyncadd.s32 $0xFFFFC000  }
0x1f: {  	[spmem:s2] =	stream.indirect.scatter.add.f32 [tilespmem:s15], [sflag:$0x1], $0x80, s31, s14, $0xb8;
	[tilespmem:$0x1DF00] =	vst v63  }
0x20: {  	_ =	swait.ge [sflag:s12], $0x4000  }
0x21: {  	s18 =	simm.s32 $0x400;
	s17 =	simm.s32 $0x200;
	[sflag:s12] =	ssyncset.done $0x0  }
.LBB2_2:
0x22: {  	s19 =	sshra.s32 s17, $0x2  }
0x23: {  	[sflag:s12] =	ssyncadd.s32 $0xFFFFC000;
	s17 =	smov.u32 s18;
	s20 =	sadd.s32 $0x200, s18  }
0x24: {  	[tilespmem:s15], [sflag:$0x1] =	stream.indirect.gather [hbm4b:s4+s14], $0x80, s19, s14, $0xb8;
	[tilespmem:$0x1DF00] =	vst v63  }
0x25: {  	p0 =	sne.s32 s18, $0x9C00;
	_ =	swait.ge [sflag:s12], $0x4000  }
.Ltmp0:
0x26: {  	[sflag:s12] =	ssyncset.done $0x0;
	(pc) =	sbr.rel @p0 .LBB2_2-.Ltmp0, $4  }
0x27: {  	s18 =	sadd.s32 $0x2780, s19;
	[sflag:s12] =	ssyncadd.s32 $0xFFFFC000  }
0x28: {  	[spmem:s2] =	stream.indirect.scatter.add.f32 [tilespmem:s15], [sflag:$0x1], $0x80, s18, s14, $0xb8;
	[tilespmem:$0x1DF00] =	vst v63  }
0x29: {  	_ =	swait.ge [sflag:s12], $0x4000  }
0x2a: {  	s18 =	smov.u32 s20;
	[sflag:s12] =	ssyncset.done $0x0  }
0x2b: {  	s17 =	sshra.s32 s17, $0x2;
	[sflag:s12] =	ssyncadd.s32 $0xFFFFC000  }
0x2c: {  	[tilespmem:s15], [sflag:$0x1] =	stream.indirect.gather [hbm4b:s4+s14], $0x80, s17, s14, $0xb8;
	[tilespmem:$0x1DF00] =	vst v63  }
0x2d: {  	_ =	swait.ge [sflag:s12], $0x4000  }
0x2e: {  	[sflag:s12] =	ssyncset.done $0x0  }
0x2f: {  	s17 =	sadd.s32 $0x2780, s17;
	[sflag:s12] =	ssyncadd.s32 $0xFFFFC000  }
0x30: {  	[spmem:s2] =	stream.indirect.scatter.add.f32 [tilespmem:s15], [sflag:$0x1], $0x80, s17, s14, $0xb8;
	[tilespmem:$0x1DF00] =	vst v63  }
0x31: {  	_ =	swait.ge [sflag:s12], $0x4000  }
0x32: {  	[sflag:s12] =	ssyncset.done $0x0  }
0x33: {  	[sflag:s12] =	ssyncadd.s32 $0xFFFFC000  }
0x34: {  	[bflag:$0x0] =	sbarrier.arrive $0xFFFF  }
0x35: {  	[hbm:s9], [sflag:s6] =	dma.local [spmem:s11], $0x2A00  }
0x36: {  	_ =	swait.ge [sflag:s12], $0x2A00  }
0x37: {  	s16 =	sadd.s32 $0x1, s16;
	[sflag:s12] =	ssyncset.done $0x0  }
0x38: {  	p0 =	sne.s32 s16, s10;
	[sflag:s12] =	ssyncadd.s32 $0xFFFFD600  }
.Ltmp1:
0x39: {  	[bflag:$0x0] =	sbarrier.arrive $0xFFFF;
	(pc) =	sbr.rel @p0 .LBB2_1-.Ltmp1, $4  }
0x3a: {  	[hbm:s9], [sflag:s6] =	dma.local [spmem:s11], $0x2A00  }
0x3b: {  	_ =	swait.ge [sflag:s12], $0x2A00  }
0x3c: {  	[sflag:s12] =	ssyncset.done $0x0  }
0x3d: {  	[sflag:s12] =	ssyncadd.s32 $0xFFFFD600  }
0x3e: {  	_ =	sfence.sel $0x180000  }
0x3f: {  	[bflag:$0x0] =	sbarrier.arrive $0xFFFF  }
0x40: {  	p0 =	sne.s32 s0, $0x0;
	_ =	strace $0x9000004A  }
0x41: {  	s0 =	sadd.s32 @!p0 $0x100000, s1;
	[bflag:$0x2] =	sbarrier.arrive $0xFFFF  }
0x42: {  	[sflag:s0] =	ssyncadd.tile.s32 @!p0 $0x1;
	_ =	shalt  }
.Lfunc_end2:
_tile_overlayer_lowered:
.L_overlay_start_2:
0x43: {  	(tag) =	ssettag $0x2  }
0x44: {  	s0 =	rddreg [dreg:$0x0];
	s2 =	stileid.u32  }
0x45: {  	s1 =	rddreg [dreg:$0x1];
	p0 =	sne.s32 s2, $0x0  }
0x46: {  	s3 =	rddreg [dreg:$0x2];
	[bflag:$0x3] =	sbarrier.arrive $0xFFFF;
	s2 =	simm.s32 @!p0 $0x1C01  }
0x47: {  	[timem:s3], [sflag:s2] =	dma.local @!p0 [hbm:s0], s1  }
0x48: {  	s0 =	simm.s32 @!p0 $0x1  }
0x49: {  	_ =	swait.ge @!p0 [sflag:s0], s1  }
0x4a: {  	s1 =	ssub.s32 @!p0 $0x0, s1;
	[sflag:s0] =	ssyncset.done @!p0 $0x0  }
0x4b: {  	[sflag:s0] =	ssyncadd.s32 @!p0 s1  }
0x4c: {  	[bflag:$0x3] =	sbarrier.arrive $0xFFFF  }
0x4d: {  	_ =	shalt  }

// kernel: kernel.18.cloned.1.call-start
scs
__scs_entry_jumppad:
0x0: {  	(pc) =	sbr.rel $0x88, $3  }
0x1: {  	(tag) =	ssettag $0x0;
	lr =	simm.s32 $0x1  }
0x2: {  	[smem:$0x3F7E] =	sst lr;
	_ =	strace $0xD0000000  }
0x3: {  	_ = 	snop  }
0x4: {  	_ = 	snop  }
0x5: {  	_ = 	snop  }
0x6: {  	_ = 	snop  }
0x7: {  	_ = 	snop  }
__scs_overlays_trampoline_lowered:
0x8: {  	[smem:$0x3F8D] =	sst s0  }
0x9: {  	[smem:$0x3F8E] =	sst s1  }
0xa: {  	[smem:$0x3F8F] =	sst s2  }
0xb: {  	[smem:$0x3F90] =	sst s3  }
0xc: {  	[smem:$0x3F91] =	sst s4  }
0xd: {  	[smem:$0x3F92] =	sst s5  }
0xe: {  	[smem:$0x3F93] =	sst s6  }
0xf: {  	[smem:$0x3F94] =	sst s7  }
0x10: {  	[smem:$0x3F95] =	sst s8  }
0x11: {  	[smem:$0x3F96] =	sst s9;
	s0 =	simm.s32 @!p0 $0x0  }
0x12: {  	s1 =	sld [smem:$0x3F7C];
	s0 =	simm.s32 @p0 $0x1  }
0x13: {  	[smem:$0x3F97] =	sst s0;
	s0 =	simm.s32 @!p1 $0x0  }
0x14: {  	s2 =	sld [smem:$0x3F7B];
	s0 =	simm.s32 @p1 $0x1  }
0x15: {  	[smem:$0x3F98] =	sst s0;
	s0 =	simm.s32 @!p2 $0x0  }
0x16: {  	s3 =	sld [smem:$0x3FDB];
	s0 =	simm.s32 @p2 $0x1  }
0x17: {  	s4 =	simm.s32 $0x1BF5;
	[smem:$0x3F9A] =	sst s0  }
0x18: {  	s0 =	sld [smem:$0x3F7D];
	_ =	swait.ge [sflag:s4], $0x0  }
0x19: {  	s7 =	sld [smem:$0x3F7E]  }
0x1a: {  	s8 =	sadd.s32 $0xFFFFE003, lr  }
0x1b: {  	s9 =	sadd.s32 $0xFFFFFEF7, lr;
	s5 =	simm.s32 $0xFFFFFFFF;
	p2 =	slt.u32 s8, $0xFFFFF086  }
0x1c: {  	p1 =	slt.u32 s9, $0xF7A;
	s5 =	simm.s32 @!p2 $0x0  }
0x1d: {  	s5 =	simm.s32 @p1 $0x1;
	p0 =	seq.s32 s7, s2  }
0x1e: {  	s7 =	smul.u32 @!p0 $0xF7A, s2;
	p2 =	seq.s32 @!p0 s5, $0x0  }
0x1f: {  	s9 =	smul.u32 $0xF7A, s1;
	s8 =	simm.s32 @!p0 $0x1BF5;
	p2 =	por !p2, p0  }
0x20: {  	[sflag:s8] =	ssyncset.s32 @!p0 $0xFFFFF086;
	s6 =	sadd.s32 @!p0 s3, s7;
	s7 =	simm.s32 @!p0 $0x108  }
0x21: {  	s3 =	sadd.s32 s3, s9;
	s6 =	sadd.s32 @!p0 $0x88, s6;
	s7 =	simm.s32 @p2 $0x1082  }
0x22: {  	[simem:s7], [sflag:s8] =	dma.local @!p0 [hbm:s6], $0xF7A  }
0x23: {  	s9 =	sor.u32 $0xD0000000, s2;
	s6 =	simm.s32 $0x108;
	_ =	swait.ge @!p0 [sflag:s8], $0x0  }
0x24: {  	s3 =	sadd.s32 $0x88, s3;
	s6 =	simm.s32 @!p1 $0x1082;
	[sflag:s4] =	ssyncset.s32 $0xFFFFF086  }
0x25: {  	[simem:s6], [sflag:s4] =	dma.local [hbm:s3], $0xF7A  }
0x26: {  	[smem:$0x3F7E] =	sst s1;
	(tag) =	ssettag s2;
	_ =	strace s9  }
0x27: {  	s1 =	sld [smem:$0x3F8E]  }
0x28: {  	s2 =	sld [smem:$0x3F8F]  }
0x29: {  	s4 =	sld [smem:$0x3F91]  }
0x2a: {  	p0 =	seq.s32 s5, $0x0;
	s5 =	sld [smem:$0x3F92]  }
0x2b: {  	s6 =	sld [smem:$0x3F93]  }
0x2c: {  	s7 =	sld [smem:$0x3F94]  }
0x2d: {  	s3 =	simm.s32 $0x108;
	s8 =	sld [smem:$0x3F95]  }
0x2e: {  	s3 =	simm.s32 @!p0 $0x1082;
	s9 =	sld [smem:$0x3F96]  }
0x2f: {  	lr =	sadd.s32 s0, s3;
	s0 =	sld [smem:$0x3F8D]  }
0x30: {  	s3 =	sld [smem:$0x3F90]  }
0x31: {  	[smem:$0x3F99] =	sst s10  }
0x32: {  	s10 =	sld [smem:$0x3F97];
	_ =	sdelay $0x3  }
0x33: {  	p0 =	seq.s32 s10, $0x1;
	s10 =	sld [smem:$0x3F99];
	_ =	sdelay $0x3  }
0x34: {  	[smem:$0x3F99] =	sst s10  }
0x35: {  	s10 =	sld [smem:$0x3F98];
	_ =	sdelay $0x3  }
0x36: {  	p1 =	seq.s32 s10, $0x1;
	s10 =	sld [smem:$0x3F99];
	_ =	sdelay $0x3  }
0x37: {  	[smem:$0x3F99] =	sst s10  }
0x38: {  	s10 =	sld [smem:$0x3F9A]  }
0x39: {  	_ = 	snop;
	(pc) =	sbr.ind lr, $3  }
0x3a: {  	_ = 	snop  }
0x3b: {  	_ = 	snop  }
0x3c: {  	p2 =	seq.s32 s10, $0x1;
	s10 =	sld [smem:$0x3F99]  }
0x3d: {  	_ =	shalt  }
0x3e: {  	_ =	shalt  }
0x3f: {  	_ =	shalt  }
0x40: {  	_ =	shalt  }
0x41: {  	_ =	shalt  }
0x42: {  	_ =	shalt  }
0x43: {  	_ =	shalt  }
0x44: {  	_ =	shalt  }
0x45: {  	_ =	shalt  }
0x46: {  	_ =	shalt  }
0x47: {  	_ =	shalt  }
0x48: {  	_ =	shalt  }
0x49: {  	_ =	shalt  }
0x4a: {  	_ =	shalt  }
0x4b: {  	_ =	shalt  }
0x4c: {  	_ =	shalt  }
0x4d: {  	_ =	shalt  }
0x4e: {  	_ =	shalt  }
0x4f: {  	_ =	shalt  }
0x50: {  	_ =	shalt  }
0x51: {  	_ =	shalt  }
0x52: {  	_ =	shalt  }
0x53: {  	_ =	shalt  }
0x54: {  	_ =	shalt  }
0x55: {  	_ =	shalt  }
0x56: {  	_ =	shalt  }
0x57: {  	_ =	shalt  }
0x58: {  	_ =	shalt  }
0x59: {  	_ =	shalt  }
0x5a: {  	_ =	shalt  }
0x5b: {  	_ =	shalt  }
0x5c: {  	_ =	shalt  }
0x5d: {  	_ =	shalt  }
0x5e: {  	_ =	shalt  }
0x5f: {  	_ =	shalt  }
0x60: {  	_ =	shalt  }
0x61: {  	_ =	shalt  }
0x62: {  	_ =	shalt  }
0x63: {  	_ =	shalt  }
0x64: {  	_ =	shalt  }
0x65: {  	_ =	shalt  }
0x66: {  	_ =	shalt  }
0x67: {  	_ =	shalt  }
0x68: {  	_ =	shalt  }
0x69: {  	_ =	shalt  }
0x6a: {  	_ =	shalt  }
0x6b: {  	_ =	shalt  }
0x6c: {  	_ =	shalt  }
0x6d: {  	_ =	shalt  }
0x6e: {  	_ =	shalt  }
0x6f: {  	_ =	shalt  }
0x70: {  	_ =	shalt  }
0x71: {  	_ =	shalt  }
0x72: {  	_ =	shalt  }
0x73: {  	_ =	shalt  }
0x74: {  	_ =	shalt  }
0x75: {  	_ =	shalt  }
0x76: {  	_ =	shalt  }
0x77: {  	_ =	shalt  }
0x78: {  	_ =	shalt  }
0x79: {  	_ =	shalt  }
0x7a: {  	_ =	shalt  }
0x7b: {  	_ =	shalt  }
0x7c: {  	_ =	shalt  }
0x7d: {  	_ =	shalt  }
0x7e: {  	_ =	shalt  }
0x7f: {  	_ =	shalt  }
0x80: {  	_ =	shalt  }
0x81: {  	_ =	shalt  }
0x82: {  	_ =	shalt  }
0x83: {  	_ =	shalt  }
0x84: {  	_ =	shalt  }
0x85: {  	_ =	shalt  }
0x86: {  	_ =	shalt  }
0x87: {  	_ =	shalt  }
.Lfunc_end0:
.L_simem_size_0:
called_computation.2_lowered:
.L_overlay_start_0:
0x88: {  	s2 =	sld [smem:$0x3FD9]  }
0x89: {  	s3 =	sld [smem:$0x3FFE];
	_ =	sdelay $0x1  }
0x8a: {  	s1 =	srdreg.scid  }
0x8b: {  	s0 =	sand.u32 $0x1, s1  }
0x8c: {  	s16 =	sshll.u32 s0, $0xA;
	s2 =	sadd.s32 s3, s2  }
0x8d: {  	s2 =	sadd.s32 s2, s16  }
0x8e: {  	[smem:$0x3FA5] =	sst s2  }
0x8f: {  	_ = 	snop  }
0x90: {  	(tm) =	ssettm $0x1  }
0x91: {  	s17 =	sld [smem:$0x3FFB];
	_ =	sdelay $0x3  }
0x92: {  	_ =	strace s17  }
0x93: {  	s2 =	sld [smem:$0x3FFC];
	_ =	sdelay $0x3  }
0x94: {  	_ =	strace s2  }
0x95: {  	s2 =	sld [smem:$0x3FFD];
	_ =	sdelay $0x3  }
0x96: {  	_ =	strace s2  }
0x97: {  	_ =	strace $0x8FFFFFFF  }
0x98: {  	s18 =	sld [smem:$0x3FDB];
	_ =	sdelay $0x1  }
0x99: {  	s19 =	simm.s32 $_scs_section_size  }
0x9a: {  	s4 =	simm.s32 $_size__tile_overlayer_lowered;
	s5 =	simm.s32 $_tile_overlayer_lowered  }
0x9b: {  	s22 =	simm.s32 $0x1BFF;
	s21 =	sshll.u32 s5, $0x1;
	s2 =	sadd.s32 s19, s18  }
0x9c: {  	s6 =	simm.s32 $0x0;
	s20 =	sshll.u32 s4, $0x1;
	s4 =	sadd.s32 s21, s2  }
0x9d: {  	[timem:s6], [sflag:s22] =	dma.local [hbm:s4], s20  }
0x9e: {  	_ =	swait.ge [sflag:s22], s20  }
0x9f: {  	s3 =	ssub.s32 $0x0, s20;
	[sflag:s22] =	ssyncset.done $0x0  }
0xa0: {  	[sflag:s22] =	ssyncadd.s32 s3;
	_ =	sdelay $0x1  }
0xa1: {  	s23 =	simm.s32 $0x1B8B  }
0xa2: {  	_ =	swait.ge [sflag:s23], $0x1  }
0xa3: {  	[sflag:s23] =	ssyncset.done $0x0  }
0xa4: {  	s25 =	simm.s32 $0x1B8E;
	s24 =	sld [smem:$0x3FFE];
	[sflag:s23] =	ssyncadd.s32 $0xFFFFFFFF  }
0xa5: {  	s26 =	simm.s32 $execute0_lowered;
	[smem:$0x3FD2] =	sst s25  }
0xa6: {  	s4 =	sshll.u32 s26, $0x1;
	_ =	strace $0x8000004C;
	[dreg:$0x1] =	wrdreg $0xFFFFFFFF  }
0xa7: {  	s28 =	simm.s32 $_size_execute0_lowered;
	s2 =	sadd.s32 s2, s4;
	[dreg:$0x0] =	wrdreg $0x0  }
0xa8: {  	s4 =	sshll.u32 s28, $0x1;
	[dreg:$0x2] =	wrdreg s2  }
0xa9: {  	[dreg:$0x3] =	wrdreg s4  }
0xaa: {  	[dreg:$0x4] =	wrdreg $0xC0  }
0xab: {  	_ =	task [dreg:s6], $0x5FFFF  }
0xac: {  	[dreg:$0x1] =	wrdreg $0xFFFFFFFF  }
0xad: {  	[dreg:$0x0] =	wrdreg $0x60  }
0xae: {  	[dreg:$0x2] =	wrdreg s24  }
0xaf: {  	[dreg:$0x3] =	wrdreg $0x8F000  }
0xb0: {  	[dreg:$0x4] =	wrdreg $0x9  }
0xb1: {  	_ =	task.clear_ibuf [dreg:s6], $0x5FFFF;
	_ =	strace $0x9000004C  }
0xb2: {  	s29 =	simm.s32 $0x9;
	_ =	strace $0x8000004E  }
0xb3: {  	_ =	swait.ge [sflag:s29], $0x1  }
0xb4: {  	[sflag:s29] =	ssyncadd.s32 $0xFFFFFFFF  }
0xb5: {  	_ =	strace $0x9000004E  }
0xb6: {  	_ =	sfence  }
0xb7: {  	s30 =	sld [smem:$0x0];
	_ =	sdelay $0x2  }
0xb8: {  	s31 =	sshll.u32 s1, $0xD;
	s1 =	sshrl.u32 s1, $0x2  }
0xb9: {  	s3 =	sand.u32 $0x4000, s31;
	s1 =	sadd.s32 s1, s30  }
0xba: {  	s0 =	sor.u32 s3, s0;
	s1 =	sshll.u32 s1, $0x11  }
0xbb: {  	s0 =	sor.u32 s1, s0  }
0xbc: {  	s0 =	sadd.s32 $0x8F2B, s0  }
0xbd: {  	[sflag:s0] =	ssyncadd.remote.s32 $0x1  }
0xbe: {  	_ =	sfence.sel $0xFFFF  }
0xbf: {  	[dreg:$0x0] =	wrdreg $0xFFFFFFFF;
	(pc) =	sbr.abs _section_cstart, $3  }
0xc0: {  	[dreg:$0x1] =	wrdreg $0xFFFFFFFF  }
0xc1: {  	_ =	task.clear_ibuf [dreg:s6], $0x2FFFF;
	_ =	strace $0x9FFFFFFF  }
0xc2: {  	(tm) =	ssettm $0x7FFFFFFF  }
0xc3: {  	_ =	shalt  }
tec
execute0_lowered:
.L_overlay_start_1:
0x0: {  	(tag) =	ssettag $0x1  }
0x1: {  	s1 =	srdreg.scid  }
0x2: {  	s0 =	stileid.u32;
	s6 =	rddreg [dreg:$0x0]  }
0x3: {  	s2 =	rddreg [dreg:$0x1];
	s3 =	simm.s32 $0x0;
	s14 =	simm.s32 $0x80  }
0x4: {  	s15 =	simm.s32 $0x4F00;
	s16 =	simm.s32 $0x0;
	s5 =	sand.u32 $0x1, s1  }
0x5: {  	s28 =	sshll.u32 s0, $0x1;
	s8 =	smul.u32 $0x15000, s0;
	[smem:$0x7FF] =	sst s3  }
0x6: {  	s4 =	sadd.s32 $0x1F000, s6;
	s31 =	sshll.u32 s0, $0x6;
	s1 =	sor.u32 s5, s28  }
0x7: {  	s9 =	smul.u32 $0x150000, s5;
	s30 =	ssub.s32 $0x2, s5;
	s5 =	sadd.s32 $0x1C600, s6  }
0x8: {  	s7 =	smul.u32 $0x4F0, s1;
	s1 =	rddreg [dreg:$0x2];
	_ =	strace $0x8000004D  }
0x9: {  	s11 =	sshrl.u32 s30, $0x1;
	s13 =	sadd.s32 s8, s2;
	s29 =	sadd.s32 s8, s9  }
0xa: {  	s11 =	ssub.s32 s30, s11;
	s10 =	sadd.s32 s7, s6;
	s7 =	sshrl.u32 s29, $0x3  }
0xb: {  	s12 =	sadd.s32 s7, s6;
	s6 =	sor.u32 $0x1C01, s31;
	s7 =	sadd.s32 $0x8A00, s10  }
0xc: {  	s8 =	sadd.s32 $0x12800, s10;
	s10 =	smax.u32 s11, $0x1;
	s11 =	sshrl.u32 s13, $0x3  }
0xd: {  	s13 =	simm.s32 $0x2780;
	s9 =	sadd.s32 $0x46200, s12;
	s12 =	simm.s32 $0x1  }
.LBB2_1:
0xe: {  	[spmem:s11], [sflag:s6] =	dma.local [hbm:s5], $0x2A00  }
0xf: {  	_ =	swait.ge [sflag:s12], $0x2A00  }
0x10: {  	[sflag:s12] =	ssyncset.done $0x0  }
0x11: {  	[sflag:s12] =	ssyncadd.s32 $0xFFFFD600  }
0x12: {  	[tilespmem:s3], [sflag:$0x1] =	stream.linear.gather [hbm4b:s7+s3], $0x2780, $0x38;
	[tilespmem:$0x1DF00] =	vst v63  }
0x13: {  	_ =	swait.ge [sflag:s12], $0x2780  }
0x14: {  	[sflag:s12] =	ssyncset.done $0x0  }
0x15: {  	[sflag:s12] =	ssyncadd.s32 $0xFFFFD880  }
0x16: {  	[tilespmem:s13], [sflag:$0x1] =	stream.linear.gather [hbm4b:s8+s3], $0x2780, $0x38;
	[tilespmem:$0x1DF00] =	vst v63  }
0x17: {  	_ =	swait.ge [sflag:s12], $0x2780  }
0x18: {  	[sflag:s12] =	ssyncset.done $0x0  }
0x19: {  	[sflag:s12] =	ssyncadd.s32 $0xFFFFD880  }
0x1a: {  	s17 =	simm.s32 $0x0;
	[bflag:$0x0] =	sbarrier.arrive $0xFFFF  }
0x1b: {  	[tilespmem:s15], [sflag:$0x1] =	stream.indirect.gather [hbm4b:s4+s14], $0x80, s17, s14, $0xb8;
	[tilespmem:$0x1DF00] =	vst v63  }
0x1c: {  	_ =	swait.ge [sflag:s12], $0x4000  }
0x1d: {  	[sflag:s12] =	ssyncset.done $0x0  }
0x1e: {  	s31 =	simm.s32 $0x2780;
	[sflag:s12] =	ssyncadd.s32 $0xFFFFC000  }
0x1f: {  	[spmem:s2] =	stream.indirect.scatter.add.f32 [tilespmem:s15], [sflag:$0x1], $0x80, s31, s14, $0xb8;
	[tilespmem:$0x1DF00] =	vst v63  }
0x20: {  	_ =	swait.ge [sflag:s12], $0x4000  }
0x21: {  	s18 =	simm.s32 $0x400;
	s17 =	simm.s32 $0x200;
	[sflag:s12] =	ssyncset.done $0x0  }
.LBB2_2:
0x22: {  	s19 =	sshra.s32 s17, $0x2  }
0x23: {  	[sflag:s12] =	ssyncadd.s32 $0xFFFFC000;
	s17 =	smov.u32 s18;
	s20 =	sadd.s32 $0x200, s18  }
0x24: {  	[tilespmem:s15], [sflag:$0x1] =	stream.indirect.gather [hbm4b:s4+s14], $0x80, s19, s14, $0xb8;
	[tilespmem:$0x1DF00] =	vst v63  }
0x25: {  	p0 =	sne.s32 s18, $0x9C00;
	_ =	swait.ge [sflag:s12], $0x4000  }
.Ltmp0:
0x26: {  	[sflag:s12] =	ssyncset.done $0x0;
	(pc) =	sbr.rel @p0 .LBB2_2-.Ltmp0, $4  }
0x27: {  	s18 =	sadd.s32 $0x2780, s19;
	[sflag:s12] =	ssyncadd.s32 $0xFFFFC000  }
0x28: {  	[spmem:s2] =	stream.indirect.scatter.add.f32 [tilespmem:s15], [sflag:$0x1], $0x80, s18, s14, $0xb8;
	[tilespmem:$0x1DF00] =	vst v63  }
0x29: {  	_ =	swait.ge [sflag:s12], $0x4000  }
0x2a: {  	s18 =	smov.u32 s20;
	[sflag:s12] =	ssyncset.done $0x0  }
0x2b: {  	s17 =	sshra.s32 s17, $0x2;
	[sflag:s12] =	ssyncadd.s32 $0xFFFFC000  }
0x2c: {  	[tilespmem:s15], [sflag:$0x1] =	stream.indirect.gather [hbm4b:s4+s14], $0x80, s17, s14, $0xb8;
	[tilespmem:$0x1DF00] =	vst v63  }
0x2d: {  	_ =	swait.ge [sflag:s12], $0x4000  }
0x2e: {  	[sflag:s12] =	ssyncset.done $0x0  }
0x2f: {  	s17 =	sadd.s32 $0x2780, s17;
	[sflag:s12] =	ssyncadd.s32 $0xFFFFC000  }
0x30: {  	[spmem:s2] =	stream.indirect.scatter.add.f32 [tilespmem:s15], [sflag:$0x1], $0x80, s17, s14, $0xb8;
	[tilespmem:$0x1DF00] =	vst v63  }
0x31: {  	_ =	swait.ge [sflag:s12], $0x4000  }
0x32: {  	[sflag:s12] =	ssyncset.done $0x0  }
0x33: {  	[sflag:s12] =	ssyncadd.s32 $0xFFFFC000  }
0x34: {  	[bflag:$0x0] =	sbarrier.arrive $0xFFFF  }
0x35: {  	[hbm:s9], [sflag:s6] =	dma.local [spmem:s11], $0x2A00  }
0x36: {  	_ =	swait.ge [sflag:s12], $0x2A00  }
0x37: {  	s16 =	sadd.s32 $0x1, s16;
	[sflag:s12] =	ssyncset.done $0x0  }
0x38: {  	p0 =	sne.s32 s16, s10;
	[sflag:s12] =	ssyncadd.s32 $0xFFFFD600  }
.Ltmp1:
0x39: {  	[bflag:$0x0] =	sbarrier.arrive $0xFFFF;
	(pc) =	sbr.rel @p0 .LBB2_1-.Ltmp1, $4  }
0x3a: {  	[hbm:s9], [sflag:s6] =	dma.local [spmem:s11], $0x2A00  }
0x3b: {  	_ =	swait.ge [sflag:s12], $0x2A00  }
0x3c: {  	[sflag:s12] =	ssyncset.done $0x0  }
0x3d: {  	[sflag:s12] =	ssyncadd.s32 $0xFFFFD600  }
0x3e: {  	_ =	sfence.sel $0x180000  }
0x3f: {  	[bflag:$0x0] =	sbarrier.arrive $0xFFFF  }
0x40: {  	p0 =	sne.s32 s0, $0x0;
	_ =	strace $0x9000004D  }
0x41: {  	s0 =	sadd.s32 @!p0 $0x100000, s1;
	[bflag:$0x2] =	sbarrier.arrive $0xFFFF  }
0x42: {  	[sflag:s0] =	ssyncadd.tile.s32 @!p0 $0x1;
	_ =	shalt  }
.Lfunc_end2:
_tile_overlayer_lowered:
.L_overlay_start_2:
0x43: {  	(tag) =	ssettag $0x2  }
0x44: {  	s0 =	rddreg [dreg:$0x0];
	s2 =	stileid.u32  }
0x45: {  	s1 =	rddreg [dreg:$0x1];
	p0 =	sne.s32 s2, $0x0  }
0x46: {  	s3 =	rddreg [dreg:$0x2];
	[bflag:$0x3] =	sbarrier.arrive $0xFFFF;
	s2 =	simm.s32 @!p0 $0x1C01  }
0x47: {  	[timem:s3], [sflag:s2] =	dma.local @!p0 [hbm:s0], s1  }
0x48: {  	s0 =	simm.s32 @!p0 $0x1  }
0x49: {  	_ =	swait.ge @!p0 [sflag:s0], s1  }
0x4a: {  	s1 =	ssub.s32 @!p0 $0x0, s1;
	[sflag:s0] =	ssyncset.done @!p0 $0x0  }
0x4b: {  	[sflag:s0] =	ssyncadd.s32 @!p0 s1  }
0x4c: {  	[bflag:$0x3] =	sbarrier.arrive $0xFFFF  }
0x4d: {  	_ =	shalt  }

// kernel: kernel.21.cloned.1.call-start
scs
__scs_entry_jumppad:
0x0: {  	(pc) =	sbr.rel $0x88, $3  }
0x1: {  	(tag) =	ssettag $0x0;
	lr =	simm.s32 $0x1  }
0x2: {  	[smem:$0x3F7E] =	sst lr;
	_ =	strace $0xD0000000  }
0x3: {  	_ = 	snop  }
0x4: {  	_ = 	snop  }
0x5: {  	_ = 	snop  }
0x6: {  	_ = 	snop  }
0x7: {  	_ = 	snop  }
__scs_overlays_trampoline_lowered:
0x8: {  	[smem:$0x3F8D] =	sst s0  }
0x9: {  	[smem:$0x3F8E] =	sst s1  }
0xa: {  	[smem:$0x3F8F] =	sst s2  }
0xb: {  	[smem:$0x3F90] =	sst s3  }
0xc: {  	[smem:$0x3F91] =	sst s4  }
0xd: {  	[smem:$0x3F92] =	sst s5  }
0xe: {  	[smem:$0x3F93] =	sst s6  }
0xf: {  	[smem:$0x3F94] =	sst s7  }
0x10: {  	[smem:$0x3F95] =	sst s8  }
0x11: {  	[smem:$0x3F96] =	sst s9;
	s0 =	simm.s32 @!p0 $0x0  }
0x12: {  	s1 =	sld [smem:$0x3F7C];
	s0 =	simm.s32 @p0 $0x1  }
0x13: {  	[smem:$0x3F97] =	sst s0;
	s0 =	simm.s32 @!p1 $0x0  }
0x14: {  	s2 =	sld [smem:$0x3F7B];
	s0 =	simm.s32 @p1 $0x1  }
0x15: {  	[smem:$0x3F98] =	sst s0;
	s0 =	simm.s32 @!p2 $0x0  }
0x16: {  	s3 =	sld [smem:$0x3FDB];
	s0 =	simm.s32 @p2 $0x1  }
0x17: {  	s4 =	simm.s32 $0x1BF5;
	[smem:$0x3F9A] =	sst s0  }
0x18: {  	s0 =	sld [smem:$0x3F7D];
	_ =	swait.ge [sflag:s4], $0x0  }
0x19: {  	s7 =	sld [smem:$0x3F7E]  }
0x1a: {  	s8 =	sadd.s32 $0xFFFFE003, lr  }
0x1b: {  	s9 =	sadd.s32 $0xFFFFFEF7, lr;
	s5 =	simm.s32 $0xFFFFFFFF;
	p2 =	slt.u32 s8, $0xFFFFF086  }
0x1c: {  	p1 =	slt.u32 s9, $0xF7A;
	s5 =	simm.s32 @!p2 $0x0  }
0x1d: {  	s5 =	simm.s32 @p1 $0x1;
	p0 =	seq.s32 s7, s2  }
0x1e: {  	s7 =	smul.u32 @!p0 $0xF7A, s2;
	p2 =	seq.s32 @!p0 s5, $0x0  }
0x1f: {  	s9 =	smul.u32 $0xF7A, s1;
	s8 =	simm.s32 @!p0 $0x1BF5;
	p2 =	por !p2, p0  }
0x20: {  	[sflag:s8] =	ssyncset.s32 @!p0 $0xFFFFF086;
	s6 =	sadd.s32 @!p0 s3, s7;
	s7 =	simm.s32 @!p0 $0x108  }
0x21: {  	s3 =	sadd.s32 s3, s9;
	s6 =	sadd.s32 @!p0 $0x88, s6;
	s7 =	simm.s32 @p2 $0x1082  }
0x22: {  	[simem:s7], [sflag:s8] =	dma.local @!p0 [hbm:s6], $0xF7A  }
0x23: {  	s9 =	sor.u32 $0xD0000000, s2;
	s6 =	simm.s32 $0x108;
	_ =	swait.ge @!p0 [sflag:s8], $0x0  }
0x24: {  	s3 =	sadd.s32 $0x88, s3;
	s6 =	simm.s32 @!p1 $0x1082;
	[sflag:s4] =	ssyncset.s32 $0xFFFFF086  }
0x25: {  	[simem:s6], [sflag:s4] =	dma.local [hbm:s3], $0xF7A  }
0x26: {  	[smem:$0x3F7E] =	sst s1;
	(tag) =	ssettag s2;
	_ =	strace s9  }
0x27: {  	s1 =	sld [smem:$0x3F8E]  }
0x28: {  	s2 =	sld [smem:$0x3F8F]  }
0x29: {  	s4 =	sld [smem:$0x3F91]  }
0x2a: {  	p0 =	seq.s32 s5, $0x0;
	s5 =	sld [smem:$0x3F92]  }
0x2b: {  	s6 =	sld [smem:$0x3F93]  }
0x2c: {  	s7 =	sld [smem:$0x3F94]  }
0x2d: {  	s3 =	simm.s32 $0x108;
	s8 =	sld [smem:$0x3F95]  }
0x2e: {  	s3 =	simm.s32 @!p0 $0x1082;
	s9 =	sld [smem:$0x3F96]  }
0x2f: {  	lr =	sadd.s32 s0, s3;
	s0 =	sld [smem:$0x3F8D]  }
0x30: {  	s3 =	sld [smem:$0x3F90]  }
0x31: {  	[smem:$0x3F99] =	sst s10  }
0x32: {  	s10 =	sld [smem:$0x3F97];
	_ =	sdelay $0x3  }
0x33: {  	p0 =	seq.s32 s10, $0x1;
	s10 =	sld [smem:$0x3F99];
	_ =	sdelay $0x3  }
0x34: {  	[smem:$0x3F99] =	sst s10  }
0x35: {  	s10 =	sld [smem:$0x3F98];
	_ =	sdelay $0x3  }
0x36: {  	p1 =	seq.s32 s10, $0x1;
	s10 =	sld [smem:$0x3F99];
	_ =	sdelay $0x3  }
0x37: {  	[smem:$0x3F99] =	sst s10  }
0x38: {  	s10 =	sld [smem:$0x3F9A]  }
0x39: {  	_ = 	snop;
	(pc) =	sbr.ind lr, $3  }
0x3a: {  	_ = 	snop  }
0x3b: {  	_ = 	snop  }
0x3c: {  	p2 =	seq.s32 s10, $0x1;
	s10 =	sld [smem:$0x3F99]  }
0x3d: {  	_ =	shalt  }
0x3e: {  	_ =	shalt  }
0x3f: {  	_ =	shalt  }
0x40: {  	_ =	shalt  }
0x41: {  	_ =	shalt  }
0x42: {  	_ =	shalt  }
0x43: {  	_ =	shalt  }
0x44: {  	_ =	shalt  }
0x45: {  	_ =	shalt  }
0x46: {  	_ =	shalt  }
0x47: {  	_ =	shalt  }
0x48: {  	_ =	shalt  }
0x49: {  	_ =	shalt  }
0x4a: {  	_ =	shalt  }
0x4b: {  	_ =	shalt  }
0x4c: {  	_ =	shalt  }
0x4d: {  	_ =	shalt  }
0x4e: {  	_ =	shalt  }
0x4f: {  	_ =	shalt  }
0x50: {  	_ =	shalt  }
0x51: {  	_ =	shalt  }
0x52: {  	_ =	shalt  }
0x53: {  	_ =	shalt  }
0x54: {  	_ =	shalt  }
0x55: {  	_ =	shalt  }
0x56: {  	_ =	shalt  }
0x57: {  	_ =	shalt  }
0x58: {  	_ =	shalt  }
0x59: {  	_ =	shalt  }
0x5a: {  	_ =	shalt  }
0x5b: {  	_ =	shalt  }
0x5c: {  	_ =	shalt  }
0x5d: {  	_ =	shalt  }
0x5e: {  	_ =	shalt  }
0x5f: {  	_ =	shalt  }
0x60: {  	_ =	shalt  }
0x61: {  	_ =	shalt  }
0x62: {  	_ =	shalt  }
0x63: {  	_ =	shalt  }
0x64: {  	_ =	shalt  }
0x65: {  	_ =	shalt  }
0x66: {  	_ =	shalt  }
0x67: {  	_ =	shalt  }
0x68: {  	_ =	shalt  }
0x69: {  	_ =	shalt  }
0x6a: {  	_ =	shalt  }
0x6b: {  	_ =	shalt  }
0x6c: {  	_ =	shalt  }
0x6d: {  	_ =	shalt  }
0x6e: {  	_ =	shalt  }
0x6f: {  	_ =	shalt  }
0x70: {  	_ =	shalt  }
0x71: {  	_ =	shalt  }
0x72: {  	_ =	shalt  }
0x73: {  	_ =	shalt  }
0x74: {  	_ =	shalt  }
0x75: {  	_ =	shalt  }
0x76: {  	_ =	shalt  }
0x77: {  	_ =	shalt  }
0x78: {  	_ =	shalt  }
0x79: {  	_ =	shalt  }
0x7a: {  	_ =	shalt  }
0x7b: {  	_ =	shalt  }
0x7c: {  	_ =	shalt  }
0x7d: {  	_ =	shalt  }
0x7e: {  	_ =	shalt  }
0x7f: {  	_ =	shalt  }
0x80: {  	_ =	shalt  }
0x81: {  	_ =	shalt  }
0x82: {  	_ =	shalt  }
0x83: {  	_ =	shalt  }
0x84: {  	_ =	shalt  }
0x85: {  	_ =	shalt  }
0x86: {  	_ =	shalt  }
0x87: {  	_ =	shalt  }
.Lfunc_end0:
.L_simem_size_0:
called_computation.3_lowered:
.L_overlay_start_0:
0x88: {  	s2 =	sld [smem:$0x3FD9]  }
0x89: {  	s3 =	sld [smem:$0x3FFE];
	_ =	sdelay $0x1  }
0x8a: {  	s1 =	srdreg.scid  }
0x8b: {  	s0 =	sand.u32 $0x1, s1  }
0x8c: {  	s16 =	sshll.u32 s0, $0xA;
	s2 =	sadd.s32 s3, s2  }
0x8d: {  	s2 =	sadd.s32 s2, s16  }
0x8e: {  	[smem:$0x3FA5] =	sst s2  }
0x8f: {  	_ = 	snop  }
0x90: {  	(tm) =	ssettm $0x1  }
0x91: {  	s17 =	sld [smem:$0x3FFB];
	_ =	sdelay $0x3  }
0x92: {  	_ =	strace s17  }
0x93: {  	s2 =	sld [smem:$0x3FFC];
	_ =	sdelay $0x3  }
0x94: {  	_ =	strace s2  }
0x95: {  	s2 =	sld [smem:$0x3FFD];
	_ =	sdelay $0x3  }
0x96: {  	_ =	strace s2  }
0x97: {  	_ =	strace $0x8FFFFFFF  }
0x98: {  	s18 =	sld [smem:$0x3FDB];
	_ =	sdelay $0x1  }
0x99: {  	s19 =	simm.s32 $_scs_section_size  }
0x9a: {  	s4 =	simm.s32 $_size__tile_overlayer_lowered;
	s5 =	simm.s32 $_tile_overlayer_lowered  }
0x9b: {  	s22 =	simm.s32 $0x1BFF;
	s21 =	sshll.u32 s5, $0x1;
	s2 =	sadd.s32 s19, s18  }
0x9c: {  	s6 =	simm.s32 $0x0;
	s20 =	sshll.u32 s4, $0x1;
	s4 =	sadd.s32 s21, s2  }
0x9d: {  	[timem:s6], [sflag:s22] =	dma.local [hbm:s4], s20  }
0x9e: {  	_ =	swait.ge [sflag:s22], s20  }
0x9f: {  	s3 =	ssub.s32 $0x0, s20;
	[sflag:s22] =	ssyncset.done $0x0  }
0xa0: {  	[sflag:s22] =	ssyncadd.s32 s3;
	_ =	sdelay $0x1  }
0xa1: {  	s23 =	simm.s32 $0x1B8B  }
0xa2: {  	_ =	swait.ge [sflag:s23], $0x1  }
0xa3: {  	[sflag:s23] =	ssyncset.done $0x0  }
0xa4: {  	s25 =	simm.s32 $0x1B8E;
	s24 =	sld [smem:$0x3FFE];
	[sflag:s23] =	ssyncadd.s32 $0xFFFFFFFF  }
0xa5: {  	s26 =	simm.s32 $execute0_lowered;
	[smem:$0x3FD2] =	sst s25  }
0xa6: {  	s4 =	sshll.u32 s26, $0x1;
	_ =	strace $0x8000004F;
	[dreg:$0x1] =	wrdreg $0xFFFFFFFF  }
0xa7: {  	s28 =	simm.s32 $_size_execute0_lowered;
	s2 =	sadd.s32 s2, s4;
	[dreg:$0x0] =	wrdreg $0x0  }
0xa8: {  	s4 =	sshll.u32 s28, $0x1;
	[dreg:$0x2] =	wrdreg s2  }
0xa9: {  	[dreg:$0x3] =	wrdreg s4  }
0xaa: {  	[dreg:$0x4] =	wrdreg $0xC0  }
0xab: {  	_ =	task [dreg:s6], $0x5FFFF  }
0xac: {  	[dreg:$0x1] =	wrdreg $0xFFFFFFFF  }
0xad: {  	[dreg:$0x0] =	wrdreg $0x60  }
0xae: {  	[dreg:$0x2] =	wrdreg s24  }
0xaf: {  	[dreg:$0x3] =	wrdreg $0x8F000  }
0xb0: {  	[dreg:$0x4] =	wrdreg $0x9  }
0xb1: {  	_ =	task.clear_ibuf [dreg:s6], $0x5FFFF;
	_ =	strace $0x9000004F  }
0xb2: {  	s29 =	simm.s32 $0x9;
	_ =	strace $0x80000051  }
0xb3: {  	_ =	swait.ge [sflag:s29], $0x1  }
0xb4: {  	[sflag:s29] =	ssyncadd.s32 $0xFFFFFFFF  }
0xb5: {  	_ =	strace $0x90000051  }
0xb6: {  	_ =	sfence  }
0xb7: {  	s30 =	sld [smem:$0x0];
	_ =	sdelay $0x2  }
0xb8: {  	s31 =	sshll.u32 s1, $0xD;
	s1 =	sshrl.u32 s1, $0x2  }
0xb9: {  	s3 =	sand.u32 $0x4000, s31;
	s1 =	sadd.s32 s1, s30  }
0xba: {  	s0 =	sor.u32 s3, s0;
	s1 =	sshll.u32 s1, $0x11  }
0xbb: {  	s0 =	sor.u32 s1, s0  }
0xbc: {  	s0 =	sadd.s32 $0x8F2B, s0  }
0xbd: {  	[sflag:s0] =	ssyncadd.remote.s32 $0x1  }
0xbe: {  	_ =	sfence.sel $0xFFFF  }
0xbf: {  	[dreg:$0x0] =	wrdreg $0xFFFFFFFF;
	(pc) =	sbr.abs _section_cstart, $3  }
0xc0: {  	[dreg:$0x1] =	wrdreg $0xFFFFFFFF  }
0xc1: {  	_ =	task.clear_ibuf [dreg:s6], $0x2FFFF;
	_ =	strace $0x9FFFFFFF  }
0xc2: {  	(tm) =	ssettm $0x7FFFFFFF  }
0xc3: {  	_ =	shalt  }
tec
execute0_lowered:
.L_overlay_start_1:
0x0: {  	(tag) =	ssettag $0x1  }
0x1: {  	s1 =	srdreg.scid  }
0x2: {  	s0 =	stileid.u32;
	s6 =	rddreg [dreg:$0x0]  }
0x3: {  	s2 =	rddreg [dreg:$0x1];
	s3 =	simm.s32 $0x0;
	s14 =	simm.s32 $0x80  }
0x4: {  	s15 =	simm.s32 $0x4F00;
	s16 =	simm.s32 $0x0;
	s5 =	sand.u32 $0x1, s1  }
0x5: {  	s28 =	sshll.u32 s0, $0x1;
	s8 =	smul.u32 $0x15000, s0;
	[smem:$0x7FF] =	sst s3  }
0x6: {  	s4 =	sadd.s32 $0x1F000, s6;
	s31 =	sshll.u32 s0, $0x6;
	s1 =	sor.u32 s5, s28  }
0x7: {  	s9 =	smul.u32 $0x150000, s5;
	s30 =	ssub.s32 $0x2, s5;
	s5 =	sadd.s32 $0x1C600, s6  }
0x8: {  	s7 =	smul.u32 $0x4F0, s1;
	s1 =	rddreg [dreg:$0x2];
	_ =	strace $0x80000050  }
0x9: {  	s11 =	sshrl.u32 s30, $0x1;
	s13 =	sadd.s32 s8, s2;
	s29 =	sadd.s32 s8, s9  }
0xa: {  	s11 =	ssub.s32 s30, s11;
	s10 =	sadd.s32 s7, s6;
	s7 =	sshrl.u32 s29, $0x3  }
0xb: {  	s12 =	sadd.s32 s7, s6;
	s6 =	sor.u32 $0x1C01, s31;
	s7 =	sadd.s32 $0x8A00, s10  }
0xc: {  	s8 =	sadd.s32 $0x12800, s10;
	s10 =	smax.u32 s11, $0x1;
	s11 =	sshrl.u32 s13, $0x3  }
0xd: {  	s13 =	simm.s32 $0x2780;
	s9 =	sadd.s32 $0x46200, s12;
	s12 =	simm.s32 $0x1  }
.LBB2_1:
0xe: {  	[spmem:s11], [sflag:s6] =	dma.local [hbm:s5], $0x2A00  }
0xf: {  	_ =	swait.ge [sflag:s12], $0x2A00  }
0x10: {  	[sflag:s12] =	ssyncset.done $0x0  }
0x11: {  	[sflag:s12] =	ssyncadd.s32 $0xFFFFD600  }
0x12: {  	[tilespmem:s3], [sflag:$0x1] =	stream.linear.gather [hbm4b:s7+s3], $0x2780, $0x38;
	[tilespmem:$0x1DF00] =	vst v63  }
0x13: {  	_ =	swait.ge [sflag:s12], $0x2780  }
0x14: {  	[sflag:s12] =	ssyncset.done $0x0  }
0x15: {  	[sflag:s12] =	ssyncadd.s32 $0xFFFFD880  }
0x16: {  	[tilespmem:s13], [sflag:$0x1] =	stream.linear.gather [hbm4b:s8+s3], $0x2780, $0x38;
	[tilespmem:$0x1DF00] =	vst v63  }
0x17: {  	_ =	swait.ge [sflag:s12], $0x2780  }
0x18: {  	[sflag:s12] =	ssyncset.done $0x0  }
0x19: {  	[sflag:s12] =	ssyncadd.s32 $0xFFFFD880  }
0x1a: {  	s17 =	simm.s32 $0x0;
	[bflag:$0x0] =	sbarrier.arrive $0xFFFF  }
0x1b: {  	[tilespmem:s15], [sflag:$0x1] =	stream.indirect.gather [hbm4b:s4+s14], $0x80, s17, s14, $0xb8;
	[tilespmem:$0x1DF00] =	vst v63  }
0x1c: {  	_ =	swait.ge [sflag:s12], $0x4000  }
0x1d: {  	[sflag:s12] =	ssyncset.done $0x0  }
0x1e: {  	s31 =	simm.s32 $0x2780;
	[sflag:s12] =	ssyncadd.s32 $0xFFFFC000  }
0x1f: {  	[spmem:s2] =	stream.indirect.scatter.add.f32 [tilespmem:s15], [sflag:$0x1], $0x80, s31, s14, $0xb8;
	[tilespmem:$0x1DF00] =	vst v63  }
0x20: {  	_ =	swait.ge [sflag:s12], $0x4000  }
0x21: {  	s18 =	simm.s32 $0x400;
	s17 =	simm.s32 $0x200;
	[sflag:s12] =	ssyncset.done $0x0  }
.LBB2_2:
0x22: {  	s19 =	sshra.s32 s17, $0x2  }
0x23: {  	[sflag:s12] =	ssyncadd.s32 $0xFFFFC000;
	s17 =	smov.u32 s18;
	s20 =	sadd.s32 $0x200, s18  }
0x24: {  	[tilespmem:s15], [sflag:$0x1] =	stream.indirect.gather [hbm4b:s4+s14], $0x80, s19, s14, $0xb8;
	[tilespmem:$0x1DF00] =	vst v63  }
0x25: {  	p0 =	sne.s32 s18, $0x9C00;
	_ =	swait.ge [sflag:s12], $0x4000  }
.Ltmp0:
0x26: {  	[sflag:s12] =	ssyncset.done $0x0;
	(pc) =	sbr.rel @p0 .LBB2_2-.Ltmp0, $4  }
0x27: {  	s18 =	sadd.s32 $0x2780, s19;
	[sflag:s12] =	ssyncadd.s32 $0xFFFFC000  }
0x28: {  	[spmem:s2] =	stream.indirect.scatter.add.f32 [tilespmem:s15], [sflag:$0x1], $0x80, s18, s14, $0xb8;
	[tilespmem:$0x1DF00] =	vst v63  }
0x29: {  	_ =	swait.ge [sflag:s12], $0x4000  }
0x2a: {  	s18 =	smov.u32 s20;
	[sflag:s12] =	ssyncset.done $0x0  }
0x2b: {  	s17 =	sshra.s32 s17, $0x2;
	[sflag:s12] =	ssyncadd.s32 $0xFFFFC000  }
0x2c: {  	[tilespmem:s15], [sflag:$0x1] =	stream.indirect.gather [hbm4b:s4+s14], $0x80, s17, s14, $0xb8;
	[tilespmem:$0x1DF00] =	vst v63  }
0x2d: {  	_ =	swait.ge [sflag:s12], $0x4000  }
0x2e: {  	[sflag:s12] =	ssyncset.done $0x0  }
0x2f: {  	s17 =	sadd.s32 $0x2780, s17;
	[sflag:s12] =	ssyncadd.s32 $0xFFFFC000  }
0x30: {  	[spmem:s2] =	stream.indirect.scatter.add.f32 [tilespmem:s15], [sflag:$0x1], $0x80, s17, s14, $0xb8;
	[tilespmem:$0x1DF00] =	vst v63  }
0x31: {  	_ =	swait.ge [sflag:s12], $0x4000  }
0x32: {  	[sflag:s12] =	ssyncset.done $0x0  }
0x33: {  	[sflag:s12] =	ssyncadd.s32 $0xFFFFC000  }
0x34: {  	[bflag:$0x0] =	sbarrier.arrive $0xFFFF  }
0x35: {  	[hbm:s9], [sflag:s6] =	dma.local [spmem:s11], $0x2A00  }
0x36: {  	_ =	swait.ge [sflag:s12], $0x2A00  }
0x37: {  	s16 =	sadd.s32 $0x1, s16;
	[sflag:s12] =	ssyncset.done $0x0  }
0x38: {  	p0 =	sne.s32 s16, s10;
	[sflag:s12] =	ssyncadd.s32 $0xFFFFD600  }
.Ltmp1:
0x39: {  	[bflag:$0x0] =	sbarrier.arrive $0xFFFF;
	(pc) =	sbr.rel @p0 .LBB2_1-.Ltmp1, $4  }
0x3a: {  	[hbm:s9], [sflag:s6] =	dma.local [spmem:s11], $0x2A00  }
0x3b: {  	_ =	swait.ge [sflag:s12], $0x2A00  }
0x3c: {  	[sflag:s12] =	ssyncset.done $0x0  }
0x3d: {  	[sflag:s12] =	ssyncadd.s32 $0xFFFFD600  }
0x3e: {  	_ =	sfence.sel $0x180000  }
0x3f: {  	[bflag:$0x0] =	sbarrier.arrive $0xFFFF  }
0x40: {  	p0 =	sne.s32 s0, $0x0;
	_ =	strace $0x90000050  }
0x41: {  	s0 =	sadd.s32 @!p0 $0x100000, s1;
	[bflag:$0x2] =	sbarrier.arrive $0xFFFF  }
0x42: {  	[sflag:s0] =	ssyncadd.tile.s32 @!p0 $0x1;
	_ =	shalt  }
.Lfunc_end2:
_tile_overlayer_lowered:
.L_overlay_start_2:
0x43: {  	(tag) =	ssettag $0x2  }
0x44: {  	s0 =	rddreg [dreg:$0x0];
	s2 =	stileid.u32  }
0x45: {  	s1 =	rddreg [dreg:$0x1];
	p0 =	sne.s32 s2, $0x0  }
0x46: {  	s3 =	rddreg [dreg:$0x2];
	[bflag:$0x3] =	sbarrier.arrive $0xFFFF;
	s2 =	simm.s32 @!p0 $0x1C01  }
0x47: {  	[timem:s3], [sflag:s2] =	dma.local @!p0 [hbm:s0], s1  }
0x48: {  	s0 =	simm.s32 @!p0 $0x1  }
0x49: {  	_ =	swait.ge @!p0 [sflag:s0], s1  }
0x4a: {  	s1 =	ssub.s32 @!p0 $0x0, s1;
	[sflag:s0] =	ssyncset.done @!p0 $0x0  }
0x4b: {  	[sflag:s0] =	ssyncadd.s32 @!p0 s1  }
0x4c: {  	[bflag:$0x3] =	sbarrier.arrive $0xFFFF  }
0x4d: {  	_ =	shalt  }

// kernel: kernel.24.cloned.1.call-start
scs
__scs_entry_jumppad:
0x0: {  	(pc) =	sbr.rel $0x88, $3  }
0x1: {  	(tag) =	ssettag $0x0;
	lr =	simm.s32 $0x1  }
0x2: {  	[smem:$0x3F7E] =	sst lr;
	_ =	strace $0xD0000000  }
0x3: {  	_ = 	snop  }
0x4: {  	_ = 	snop  }
0x5: {  	_ = 	snop  }
0x6: {  	_ = 	snop  }
0x7: {  	_ = 	snop  }
__scs_overlays_trampoline_lowered:
0x8: {  	[smem:$0x3F8D] =	sst s0  }
0x9: {  	[smem:$0x3F8E] =	sst s1  }
0xa: {  	[smem:$0x3F8F] =	sst s2  }
0xb: {  	[smem:$0x3F90] =	sst s3  }
0xc: {  	[smem:$0x3F91] =	sst s4  }
0xd: {  	[smem:$0x3F92] =	sst s5  }
0xe: {  	[smem:$0x3F93] =	sst s6  }
0xf: {  	[smem:$0x3F94] =	sst s7  }
0x10: {  	[smem:$0x3F95] =	sst s8  }
0x11: {  	[smem:$0x3F96] =	sst s9;
	s0 =	simm.s32 @!p0 $0x0  }
0x12: {  	s1 =	sld [smem:$0x3F7C];
	s0 =	simm.s32 @p0 $0x1  }
0x13: {  	[smem:$0x3F97] =	sst s0;
	s0 =	simm.s32 @!p1 $0x0  }
0x14: {  	s2 =	sld [smem:$0x3F7B];
	s0 =	simm.s32 @p1 $0x1  }
0x15: {  	[smem:$0x3F98] =	sst s0;
	s0 =	simm.s32 @!p2 $0x0  }
0x16: {  	s3 =	sld [smem:$0x3FDB];
	s0 =	simm.s32 @p2 $0x1  }
0x17: {  	s4 =	simm.s32 $0x1BF5;
	[smem:$0x3F9A] =	sst s0  }
0x18: {  	s0 =	sld [smem:$0x3F7D];
	_ =	swait.ge [sflag:s4], $0x0  }
0x19: {  	s7 =	sld [smem:$0x3F7E]  }
0x1a: {  	s8 =	sadd.s32 $0xFFFFE003, lr  }
0x1b: {  	s9 =	sadd.s32 $0xFFFFFEF7, lr;
	s5 =	simm.s32 $0xFFFFFFFF;
	p2 =	slt.u32 s8, $0xFFFFF086  }
0x1c: {  	p1 =	slt.u32 s9, $0xF7A;
	s5 =	simm.s32 @!p2 $0x0  }
0x1d: {  	s5 =	simm.s32 @p1 $0x1;
	p0 =	seq.s32 s7, s2  }
0x1e: {  	s7 =	smul.u32 @!p0 $0xF7A, s2;
	p2 =	seq.s32 @!p0 s5, $0x0  }
0x1f: {  	s9 =	smul.u32 $0xF7A, s1;
	s8 =	simm.s32 @!p0 $0x1BF5;
	p2 =	por !p2, p0  }
0x20: {  	[sflag:s8] =	ssyncset.s32 @!p0 $0xFFFFF086;
	s6 =	sadd.s32 @!p0 s3, s7;
	s7 =	simm.s32 @!p0 $0x108  }
0x21: {  	s3 =	sadd.s32 s3, s9;
	s6 =	sadd.s32 @!p0 $0x88, s6;
	s7 =	simm.s32 @p2 $0x1082  }
0x22: {  	[simem:s7], [sflag:s8] =	dma.local @!p0 [hbm:s6], $0xF7A  }
0x23: {  	s9 =	sor.u32 $0xD0000000, s2;
	s6 =	simm.s32 $0x108;
	_ =	swait.ge @!p0 [sflag:s8], $0x0  }
0x24: {  	s3 =	sadd.s32 $0x88, s3;
	s6 =	simm.s32 @!p1 $0x1082;
	[sflag:s4] =	ssyncset.s32 $0xFFFFF086  }
0x25: {  	[simem:s6], [sflag:s4] =	dma.local [hbm:s3], $0xF7A  }
0x26: {  	[smem:$0x3F7E] =	sst s1;
	(tag) =	ssettag s2;
	_ =	strace s9  }
0x27: {  	s1 =	sld [smem:$0x3F8E]  }
0x28: {  	s2 =	sld [smem:$0x3F8F]  }
0x29: {  	s4 =	sld [smem:$0x3F91]  }
0x2a: {  	p0 =	seq.s32 s5, $0x0;
	s5 =	sld [smem:$0x3F92]  }
0x2b: {  	s6 =	sld [smem:$0x3F93]  }
0x2c: {  	s7 =	sld [smem:$0x3F94]  }
0x2d: {  	s3 =	simm.s32 $0x108;
	s8 =	sld [smem:$0x3F95]  }
0x2e: {  	s3 =	simm.s32 @!p0 $0x1082;
	s9 =	sld [smem:$0x3F96]  }
0x2f: {  	lr =	sadd.s32 s0, s3;
	s0 =	sld [smem:$0x3F8D]  }
0x30: {  	s3 =	sld [smem:$0x3F90]  }
0x31: {  	[smem:$0x3F99] =	sst s10  }
0x32: {  	s10 =	sld [smem:$0x3F97];
	_ =	sdelay $0x3  }
0x33: {  	p0 =	seq.s32 s10, $0x1;
	s10 =	sld [smem:$0x3F99];
	_ =	sdelay $0x3  }
0x34: {  	[smem:$0x3F99] =	sst s10  }
0x35: {  	s10 =	sld [smem:$0x3F98];
	_ =	sdelay $0x3  }
0x36: {  	p1 =	seq.s32 s10, $0x1;
	s10 =	sld [smem:$0x3F99];
	_ =	sdelay $0x3  }
0x37: {  	[smem:$0x3F99] =	sst s10  }
0x38: {  	s10 =	sld [smem:$0x3F9A]  }
0x39: {  	_ = 	snop;
	(pc) =	sbr.ind lr, $3  }
0x3a: {  	_ = 	snop  }
0x3b: {  	_ = 	snop  }
0x3c: {  	p2 =	seq.s32 s10, $0x1;
	s10 =	sld [smem:$0x3F99]  }
0x3d: {  	_ =	shalt  }
0x3e: {  	_ =	shalt  }
0x3f: {  	_ =	shalt  }
0x40: {  	_ =	shalt  }
0x41: {  	_ =	shalt  }
0x42: {  	_ =	shalt  }
0x43: {  	_ =	shalt  }
0x44: {  	_ =	shalt  }
0x45: {  	_ =	shalt  }
0x46: {  	_ =	shalt  }
0x47: {  	_ =	shalt  }
0x48: {  	_ =	shalt  }
0x49: {  	_ =	shalt  }
0x4a: {  	_ =	shalt  }
0x4b: {  	_ =	shalt  }
0x4c: {  	_ =	shalt  }
0x4d: {  	_ =	shalt  }
0x4e: {  	_ =	shalt  }
0x4f: {  	_ =	shalt  }
0x50: {  	_ =	shalt  }
0x51: {  	_ =	shalt  }
0x52: {  	_ =	shalt  }
0x53: {  	_ =	shalt  }
0x54: {  	_ =	shalt  }
0x55: {  	_ =	shalt  }
0x56: {  	_ =	shalt  }
0x57: {  	_ =	shalt  }
0x58: {  	_ =	shalt  }
0x59: {  	_ =	shalt  }
0x5a: {  	_ =	shalt  }
0x5b: {  	_ =	shalt  }
0x5c: {  	_ =	shalt  }
0x5d: {  	_ =	shalt  }
0x5e: {  	_ =	shalt  }
0x5f: {  	_ =	shalt  }
0x60: {  	_ =	shalt  }
0x61: {  	_ =	shalt  }
0x62: {  	_ =	shalt  }
0x63: {  	_ =	shalt  }
0x64: {  	_ =	shalt  }
0x65: {  	_ =	shalt  }
0x66: {  	_ =	shalt  }
0x67: {  	_ =	shalt  }
0x68: {  	_ =	shalt  }
0x69: {  	_ =	shalt  }
0x6a: {  	_ =	shalt  }
0x6b: {  	_ =	shalt  }
0x6c: {  	_ =	shalt  }
0x6d: {  	_ =	shalt  }
0x6e: {  	_ =	shalt  }
0x6f: {  	_ =	shalt  }
0x70: {  	_ =	shalt  }
0x71: {  	_ =	shalt  }
0x72: {  	_ =	shalt  }
0x73: {  	_ =	shalt  }
0x74: {  	_ =	shalt  }
0x75: {  	_ =	shalt  }
0x76: {  	_ =	shalt  }
0x77: {  	_ =	shalt  }
0x78: {  	_ =	shalt  }
0x79: {  	_ =	shalt  }
0x7a: {  	_ =	shalt  }
0x7b: {  	_ =	shalt  }
0x7c: {  	_ =	shalt  }
0x7d: {  	_ =	shalt  }
0x7e: {  	_ =	shalt  }
0x7f: {  	_ =	shalt  }
0x80: {  	_ =	shalt  }
0x81: {  	_ =	shalt  }
0x82: {  	_ =	shalt  }
0x83: {  	_ =	shalt  }
0x84: {  	_ =	shalt  }
0x85: {  	_ =	shalt  }
0x86: {  	_ =	shalt  }
0x87: {  	_ =	shalt  }
.Lfunc_end0:
.L_simem_size_0:
called_computation.4_lowered:
.L_overlay_start_0:
0x88: {  	s2 =	sld [smem:$0x3FD9]  }
0x89: {  	s3 =	sld [smem:$0x3FFE];
	_ =	sdelay $0x1  }
0x8a: {  	s1 =	srdreg.scid  }
0x8b: {  	s0 =	sand.u32 $0x1, s1  }
0x8c: {  	s16 =	sshll.u32 s0, $0xA;
	s2 =	sadd.s32 s3, s2  }
0x8d: {  	s2 =	sadd.s32 s2, s16  }
0x8e: {  	[smem:$0x3FA5] =	sst s2  }
0x8f: {  	_ = 	snop  }
0x90: {  	(tm) =	ssettm $0x1  }
0x91: {  	s17 =	sld [smem:$0x3FFB];
	_ =	sdelay $0x3  }
0x92: {  	_ =	strace s17  }
0x93: {  	s2 =	sld [smem:$0x3FFC];
	_ =	sdelay $0x3  }
0x94: {  	_ =	strace s2  }
0x95: {  	s2 =	sld [smem:$0x3FFD];
	_ =	sdelay $0x3  }
0x96: {  	_ =	strace s2  }
0x97: {  	_ =	strace $0x8FFFFFFF  }
0x98: {  	s18 =	sld [smem:$0x3FDB];
	_ =	sdelay $0x1  }
0x99: {  	s19 =	simm.s32 $_scs_section_size  }
0x9a: {  	s4 =	simm.s32 $_size__tile_overlayer_lowered;
	s5 =	simm.s32 $_tile_overlayer_lowered  }
0x9b: {  	s22 =	simm.s32 $0x1BFF;
	s21 =	sshll.u32 s5, $0x1;
	s2 =	sadd.s32 s19, s18  }
0x9c: {  	s6 =	simm.s32 $0x0;
	s20 =	sshll.u32 s4, $0x1;
	s4 =	sadd.s32 s21, s2  }
0x9d: {  	[timem:s6], [sflag:s22] =	dma.local [hbm:s4], s20  }
0x9e: {  	_ =	swait.ge [sflag:s22], s20  }
0x9f: {  	s3 =	ssub.s32 $0x0, s20;
	[sflag:s22] =	ssyncset.done $0x0  }
0xa0: {  	[sflag:s22] =	ssyncadd.s32 s3;
	_ =	sdelay $0x1  }
0xa1: {  	s23 =	simm.s32 $0x1B8B  }
0xa2: {  	_ =	swait.ge [sflag:s23], $0x1  }
0xa3: {  	[sflag:s23] =	ssyncset.done $0x0  }
0xa4: {  	s25 =	simm.s32 $0x1B8E;
	s24 =	sld [smem:$0x3FFE];
	[sflag:s23] =	ssyncadd.s32 $0xFFFFFFFF  }
0xa5: {  	s26 =	simm.s32 $execute0_lowered;
	[smem:$0x3FD2] =	sst s25  }
0xa6: {  	s4 =	sshll.u32 s26, $0x1;
	_ =	strace $0x80000052;
	[dreg:$0x1] =	wrdreg $0xFFFFFFFF  }
0xa7: {  	s28 =	simm.s32 $_size_execute0_lowered;
	s2 =	sadd.s32 s2, s4;
	[dreg:$0x0] =	wrdreg $0x0  }
0xa8: {  	s4 =	sshll.u32 s28, $0x1;
	[dreg:$0x2] =	wrdreg s2  }
0xa9: {  	[dreg:$0x3] =	wrdreg s4  }
0xaa: {  	[dreg:$0x4] =	wrdreg $0xC0  }
0xab: {  	_ =	task [dreg:s6], $0x5FFFF  }
0xac: {  	[dreg:$0x1] =	wrdreg $0xFFFFFFFF  }
0xad: {  	[dreg:$0x0] =	wrdreg $0x60  }
0xae: {  	[dreg:$0x2] =	wrdreg s24  }
0xaf: {  	[dreg:$0x3] =	wrdreg $0x8F000  }
0xb0: {  	[dreg:$0x4] =	wrdreg $0x9  }
0xb1: {  	_ =	task.clear_ibuf [dreg:s6], $0x5FFFF;
	_ =	strace $0x90000052  }
0xb2: {  	s29 =	simm.s32 $0x9;
	_ =	strace $0x80000054  }
0xb3: {  	_ =	swait.ge [sflag:s29], $0x1  }
0xb4: {  	[sflag:s29] =	ssyncadd.s32 $0xFFFFFFFF  }
0xb5: {  	_ =	strace $0x90000054  }
0xb6: {  	_ =	sfence  }
0xb7: {  	s30 =	sld [smem:$0x0];
	_ =	sdelay $0x2  }
0xb8: {  	s31 =	sshll.u32 s1, $0xD;
	s1 =	sshrl.u32 s1, $0x2  }
0xb9: {  	s3 =	sand.u32 $0x4000, s31;
	s1 =	sadd.s32 s1, s30  }
0xba: {  	s0 =	sor.u32 s3, s0;
	s1 =	sshll.u32 s1, $0x11  }
0xbb: {  	s0 =	sor.u32 s1, s0  }
0xbc: {  	s0 =	sadd.s32 $0x8F2B, s0  }
0xbd: {  	[sflag:s0] =	ssyncadd.remote.s32 $0x1  }
0xbe: {  	_ =	sfence.sel $0xFFFF  }
0xbf: {  	[dreg:$0x0] =	wrdreg $0xFFFFFFFF;
	(pc) =	sbr.abs _section_cstart, $3  }
0xc0: {  	[dreg:$0x1] =	wrdreg $0xFFFFFFFF  }
0xc1: {  	_ =	task.clear_ibuf [dreg:s6], $0x2FFFF;
	_ =	strace $0x9FFFFFFF  }
0xc2: {  	(tm) =	ssettm $0x7FFFFFFF  }
0xc3: {  	_ =	shalt  }
tec
execute0_lowered:
.L_overlay_start_1:
0x0: {  	(tag) =	ssettag $0x1  }
0x1: {  	s1 =	srdreg.scid  }
0x2: {  	s0 =	stileid.u32;
	s6 =	rddreg [dreg:$0x0]  }
0x3: {  	s2 =	rddreg [dreg:$0x1];
	s3 =	simm.s32 $0x0;
	s14 =	simm.s32 $0x80  }
0x4: {  	s15 =	simm.s32 $0x4F00;
	s16 =	simm.s32 $0x0;
	s5 =	sand.u32 $0x1, s1  }
0x5: {  	s28 =	sshll.u32 s0, $0x1;
	s8 =	smul.u32 $0x15000, s0;
	[smem:$0x7FF] =	sst s3  }
0x6: {  	s4 =	sadd.s32 $0x1F000, s6;
	s31 =	sshll.u32 s0, $0x6;
	s1 =	sor.u32 s5, s28  }
0x7: {  	s9 =	smul.u32 $0x150000, s5;
	s30 =	ssub.s32 $0x2, s5;
	s5 =	sadd.s32 $0x1C600, s6  }
0x8: {  	s7 =	smul.u32 $0x4F0, s1;
	s1 =	rddreg [dreg:$0x2];
	_ =	strace $0x80000053  }
0x9: {  	s11 =	sshrl.u32 s30, $0x1;
	s13 =	sadd.s32 s8, s2;
	s29 =	sadd.s32 s8, s9  }
0xa: {  	s11 =	ssub.s32 s30, s11;
	s10 =	sadd.s32 s7, s6;
	s7 =	sshrl.u32 s29, $0x3  }
0xb: {  	s12 =	sadd.s32 s7, s6;
	s6 =	sor.u32 $0x1C01, s31;
	s7 =	sadd.s32 $0x8A00, s10  }
0xc: {  	s8 =	sadd.s32 $0x12800, s10;
	s10 =	smax.u32 s11, $0x1;
	s11 =	sshrl.u32 s13, $0x3  }
0xd: {  	s13 =	simm.s32 $0x2780;
	s9 =	sadd.s32 $0x46200, s12;
	s12 =	simm.s32 $0x1  }
.LBB2_1:
0xe: {  	[spmem:s11], [sflag:s6] =	dma.local [hbm:s5], $0x2A00  }
0xf: {  	_ =	swait.ge [sflag:s12], $0x2A00  }
0x10: {  	[sflag:s12] =	ssyncset.done $0x0  }
0x11: {  	[sflag:s12] =	ssyncadd.s32 $0xFFFFD600  }
0x12: {  	[tilespmem:s3], [sflag:$0x1] =	stream.linear.gather [hbm4b:s7+s3], $0x2780, $0x38;
	[tilespmem:$0x1DF00] =	vst v63  }
0x13: {  	_ =	swait.ge [sflag:s12], $0x2780  }
0x14: {  	[sflag:s12] =	ssyncset.done $0x0  }
0x15: {  	[sflag:s12] =	ssyncadd.s32 $0xFFFFD880  }
0x16: {  	[tilespmem:s13], [sflag:$0x1] =	stream.linear.gather [hbm4b:s8+s3], $0x2780, $0x38;
	[tilespmem:$0x1DF00] =	vst v63  }
0x17: {  	_ =	swait.ge [sflag:s12], $0x2780  }
0x18: {  	[sflag:s12] =	ssyncset.done $0x0  }
0x19: {  	[sflag:s12] =	ssyncadd.s32 $0xFFFFD880  }
0x1a: {  	s17 =	simm.s32 $0x0;
	[bflag:$0x0] =	sbarrier.arrive $0xFFFF  }
0x1b: {  	[tilespmem:s15], [sflag:$0x1] =	stream.indirect.gather [hbm4b:s4+s14], $0x80, s17, s14, $0xb8;
	[tilespmem:$0x1DF00] =	vst v63  }
0x1c: {  	_ =	swait.ge [sflag:s12], $0x4000  }
0x1d: {  	[sflag:s12] =	ssyncset.done $0x0  }
0x1e: {  	s31 =	simm.s32 $0x2780;
	[sflag:s12] =	ssyncadd.s32 $0xFFFFC000  }
0x1f: {  	[spmem:s2] =	stream.indirect.scatter.add.f32 [tilespmem:s15], [sflag:$0x1], $0x80, s31, s14, $0xb8;
	[tilespmem:$0x1DF00] =	vst v63  }
0x20: {  	_ =	swait.ge [sflag:s12], $0x4000  }
0x21: {  	s18 =	simm.s32 $0x400;
	s17 =	simm.s32 $0x200;
	[sflag:s12] =	ssyncset.done $0x0  }
.LBB2_2:
0x22: {  	s19 =	sshra.s32 s17, $0x2  }
0x23: {  	[sflag:s12] =	ssyncadd.s32 $0xFFFFC000;
	s17 =	smov.u32 s18;
	s20 =	sadd.s32 $0x200, s18  }
0x24: {  	[tilespmem:s15], [sflag:$0x1] =	stream.indirect.gather [hbm4b:s4+s14], $0x80, s19, s14, $0xb8;
	[tilespmem:$0x1DF00] =	vst v63  }
0x25: {  	p0 =	sne.s32 s18, $0x9C00;
	_ =	swait.ge [sflag:s12], $0x4000  }
.Ltmp0:
0x26: {  	[sflag:s12] =	ssyncset.done $0x0;
	(pc) =	sbr.rel @p0 .LBB2_2-.Ltmp0, $4  }
0x27: {  	s18 =	sadd.s32 $0x2780, s19;
	[sflag:s12] =	ssyncadd.s32 $0xFFFFC000  }
0x28: {  	[spmem:s2] =	stream.indirect.scatter.add.f32 [tilespmem:s15], [sflag:$0x1], $0x80, s18, s14, $0xb8;
	[tilespmem:$0x1DF00] =	vst v63  }
0x29: {  	_ =	swait.ge [sflag:s12], $0x4000  }
0x2a: {  	s18 =	smov.u32 s20;
	[sflag:s12] =	ssyncset.done $0x0  }
0x2b: {  	s17 =	sshra.s32 s17, $0x2;
	[sflag:s12] =	ssyncadd.s32 $0xFFFFC000  }
0x2c: {  	[tilespmem:s15], [sflag:$0x1] =	stream.indirect.gather [hbm4b:s4+s14], $0x80, s17, s14, $0xb8;
	[tilespmem:$0x1DF00] =	vst v63  }
0x2d: {  	_ =	swait.ge [sflag:s12], $0x4000  }
0x2e: {  	[sflag:s12] =	ssyncset.done $0x0  }
0x2f: {  	s17 =	sadd.s32 $0x2780, s17;
	[sflag:s12] =	ssyncadd.s32 $0xFFFFC000  }
0x30: {  	[spmem:s2] =	stream.indirect.scatter.add.f32 [tilespmem:s15], [sflag:$0x1], $0x80, s17, s14, $0xb8;
	[tilespmem:$0x1DF00] =	vst v63  }
0x31: {  	_ =	swait.ge [sflag:s12], $0x4000  }
0x32: {  	[sflag:s12] =	ssyncset.done $0x0  }
0x33: {  	[sflag:s12] =	ssyncadd.s32 $0xFFFFC000  }
0x34: {  	[bflag:$0x0] =	sbarrier.arrive $0xFFFF  }
0x35: {  	[hbm:s9], [sflag:s6] =	dma.local [spmem:s11], $0x2A00  }
0x36: {  	_ =	swait.ge [sflag:s12], $0x2A00  }
0x37: {  	s16 =	sadd.s32 $0x1, s16;
	[sflag:s12] =	ssyncset.done $0x0  }
0x38: {  	p0 =	sne.s32 s16, s10;
	[sflag:s12] =	ssyncadd.s32 $0xFFFFD600  }
.Ltmp1:
0x39: {  	[bflag:$0x0] =	sbarrier.arrive $0xFFFF;
	(pc) =	sbr.rel @p0 .LBB2_1-.Ltmp1, $4  }
0x3a: {  	[hbm:s9], [sflag:s6] =	dma.local [spmem:s11], $0x2A00  }
0x3b: {  	_ =	swait.ge [sflag:s12], $0x2A00  }
0x3c: {  	[sflag:s12] =	ssyncset.done $0x0  }
0x3d: {  	[sflag:s12] =	ssyncadd.s32 $0xFFFFD600  }
0x3e: {  	_ =	sfence.sel $0x180000  }
0x3f: {  	[bflag:$0x0] =	sbarrier.arrive $0xFFFF  }
0x40: {  	p0 =	sne.s32 s0, $0x0;
	_ =	strace $0x90000053  }
0x41: {  	s0 =	sadd.s32 @!p0 $0x100000, s1;
	[bflag:$0x2] =	sbarrier.arrive $0xFFFF  }
0x42: {  	[sflag:s0] =	ssyncadd.tile.s32 @!p0 $0x1;
	_ =	shalt  }
.Lfunc_end2:
_tile_overlayer_lowered:
.L_overlay_start_2:
0x43: {  	(tag) =	ssettag $0x2  }
0x44: {  	s0 =	rddreg [dreg:$0x0];
	s2 =	stileid.u32  }
0x45: {  	s1 =	rddreg [dreg:$0x1];
	p0 =	sne.s32 s2, $0x0  }
0x46: {  	s3 =	rddreg [dreg:$0x2];
	[bflag:$0x3] =	sbarrier.arrive $0xFFFF;
	s2 =	simm.s32 @!p0 $0x1C01  }
0x47: {  	[timem:s3], [sflag:s2] =	dma.local @!p0 [hbm:s0], s1  }
0x48: {  	s0 =	simm.s32 @!p0 $0x1  }
0x49: {  	_ =	swait.ge @!p0 [sflag:s0], s1  }
0x4a: {  	s1 =	ssub.s32 @!p0 $0x0, s1;
	[sflag:s0] =	ssyncset.done @!p0 $0x0  }
0x4b: {  	[sflag:s0] =	ssyncadd.s32 @!p0 s1  }
0x4c: {  	[bflag:$0x3] =	sbarrier.arrive $0xFFFF  }
0x4d: {  	_ =	shalt  }

</sc_bundles>
